<compile_context>
chip_gen: v7x
topology: tpu7x:2x2x1
jax: 0.10.2.dev20260603
libtpu: 0.0.44.dev20260713+nightly
codegen_flags: <defaults>
</compile_context>

<pallas_src>
import functools

import jax
import jax.numpy as jnp
from jax import lax
from jax.experimental import pallas as pl
from jax.experimental.pallas import tpu as pltpu
from jax.experimental.pallas import tpu_sc as plsc

_NC = 2
_NS = 16
_MAGIC = 0x5F3759DF
_BN = 8192
_TC_B = 56
_SC_RT = _TC_B // 8



def _tc_body(a_ref, o_ref):
    x = a_ref[:, 0, :]
    y = a_ref[:, 1, :]
    qx = jnp.clip(jnp.abs(4.0 * x) - 3.0, 0.0, 30.0)
    qy = jnp.clip(jnp.abs(4.0 * y) - 3.0, 0.0, 30.0)
    s = x * x + y * y
    jerk = jnp.clip(8.0 * jnp.sqrt(s) - 1.0, 0.0, 20.0)
    o_ref[...] = 0.1 * (qx * qx + qy * qy + jerk * jerk)



def _cost16(x, y):
    qx = jnp.minimum(jnp.maximum(jnp.abs(x) * 4.0 - 3.0, 0.0), 30.0)
    qy = jnp.minimum(jnp.maximum(jnp.abs(y) * 4.0 - 3.0, 0.0), 30.0)
    s = x * x + y * y
    si = lax.bitcast_convert_type(s, jnp.int32)
    r = lax.bitcast_convert_type(_MAGIC - (si >> 1), jnp.float32)
    r = r * (1.5 - (0.5 * s) * r * r)
    rt = s * r
    j = jnp.minimum(jnp.maximum(rt * 8.0 - 1.0, 0.0), 20.0)
    return 0.1 * (qx * qx + qy * qy + j * j)


_mesh = plsc.VectorSubcoreMesh(core_axis_name="c", subcore_axis_name="s")


@functools.partial(
    pl.kernel,
    mesh=_mesh,
    out_type=jax.ShapeDtypeStruct((1, 128, 8, 128), jnp.float32),
    scratch_types=[
        pltpu.VMEM((8, 4, 2, 128), jnp.float32),
        pltpu.VMEM((4, 8, 128), jnp.float32),
        pltpu.SemaphoreType.DMA,
    ],
)
def _sc_cost(x4, o4, in_buf, out_buf, sem):
    wid = lax.axis_index("s") * _NC + lax.axis_index("c")
    ct = wid * 4
    pltpu.async_copy(
        x4.at[pl.ds(_SC_RT * 8, 8), pl.ds(ct, 4)], in_buf, sem).wait()

    @plsc.parallel_loop(0, 32, unroll=4)
    def body(k):
        i = k // 4
        j = k % 4
        for l in range(8):
            x = in_buf[i, j, 0, pl.ds(l * 16, 16)]
            y = in_buf[i, j, 1, pl.ds(l * 16, 16)]
            out_buf[j, i, pl.ds(l * 16, 16)] = _cost16(x, y)

    pltpu.async_copy(out_buf, o4.at[0, pl.ds(ct, 4)], sem).wait()



def kernel(trajs):
    b, n, _ = trajs.shape
    x4 = trajs.reshape(b, n // 128, 128, 2).transpose(0, 1, 3, 2)
    o4 = _sc_cost(x4)
    sc_out = o4.transpose(0, 2, 1, 3).reshape(8, n)

    planes = jnp.transpose(trajs, (0, 2, 1))
    tc_out = pl.pallas_call(
        _tc_body,
        grid=(n // _BN,),
        in_specs=[pl.BlockSpec((_TC_B, 2, _BN), lambda i: (0, 0, i))],
        out_specs=pl.BlockSpec((_TC_B, _BN), lambda i: (0, i)),
        out_shape=jax.ShapeDtypeStruct((_TC_B, n), jnp.float32),
    )(planes)
    return jnp.concatenate([tc_out, sc_out], axis=0)

# --- scband reference (transcript-rebuilt; emitter-appended) ---
"""Pipeline reference for scband-cost-function-84507776516225 (READ-ONLY COPY).

The authoritative reference and input builder live on the scoring server;
editing this copy changes nothing except your own understanding.
"""

import jax, jax.numpy as jnp
import numpy as np


def setup_inputs(seed: int = 0) -> dict:
    key = jax.random.key(seed)
    # trajectory endpoint coordinates in meters; scale randn to realistic planner range
    trajs = jax.random.normal(key, (64, 16384, 2), dtype=jnp.float32) * 5.0
    return {"trajs": trajs}


def reference(trajs):
    # Faithful translation of Comfort.forward (comfort cost function).
    # constants from __init__: c_lat_acc=3, c_lon_acc=3, c_jerk=1, factor=0.1
    c_lat_acc = 3.0
    c_lon_acc = 3.0
    c_jerk = 1.0
    factor = 0.1

    lateral_velocity = trajs[:, :, 0] / 0.5
    longitudinal_velocity = trajs[:, :, 1] / 0.5
    lateral_acc = lateral_velocity / 0.5
    longitudinal_acc = longitudinal_velocity / 0.5
    ego_velocity = jnp.sqrt(jnp.sum(trajs ** 2, axis=-1)) / 0.5
    ego_acc = ego_velocity / 0.5
    ego_jerk = ego_acc / 0.5

    lateral_acc_c = jnp.clip(jnp.abs(lateral_acc) - c_lat_acc, 0.0, 30.0)
    longitudinal_acc_c = jnp.clip(jnp.abs(longitudinal_acc) - c_lon_acc, 0.0, 30.0)
    ego_jerk_c = jnp.clip(jnp.abs(ego_jerk) - c_jerk, 0.0, 20.0)

    subcost = lateral_acc_c ** 2 + longitudinal_acc_c ** 2 + ego_jerk_c ** 2
    return subcost * factor

if __name__ == "__main__":
    import jax
    _d = setup_inputs()
    print(jax.jit(kernel)(*tuple(_d.values())))

</pallas_src>

<mosaic_0001>
#map = affine_map<(d0, d1) -> (0, 0, 0, 0)>
module attributes {stable_mosaic.version = 14 : i64} {
  func.func @_sc_cost(%arg0: i32, %arg1: i32, %arg2: memref<64x128x2x128xf32, #tpu.memory_space<hbm>>, %arg3: memref<1x128x8x128xf32, #tpu.memory_space<hbm>>, %arg4: memref<8x4x2x128xf32, #tpu.memory_space<vmem>>, %arg5: memref<4x8x128xf32, #tpu.memory_space<vmem>>, %arg6: memref<!tpu.dma_semaphore, #tpu.memory_space<semaphore_mem>>) attributes {dimension_semantics = [#tpu.dimension_semantics<core_parallel>, #tpu.dimension_semantics<subcore_parallel>], iteration_bounds = array<i64: 2, 16>, scalar_prefetch = 0 : i64, scratch_operands = 3 : i64, tpu.core_type = #tpu.core_type<sc_vector_subcore>, window_params = [{transform_indices = #map}, {transform_indices = #map}]} {
    %mul3A = arith.constant 2 : i32
    %mul3A_0 = arith.muli %arg1, %mul3A : i32
    %add3A = arith.addi %mul3A_0, %arg0 : i32
    %mul3A_1 = arith.constant 4 : i32
    %mul3A_2 = arith.muli %add3A, %mul3A_1 : i32
    %dma_start3A = arith.constant 56 : i32
    %dma_start3A_3 = arith.constant 0 : i32
    %dma_start3A_4 = arith.constant 0 : i32
    %dma_start3A_5 = tpu.memref_slice %arg2[%dma_start3A, %mul3A_2, %dma_start3A_3, %dma_start3A_4] : memref<64x128x2x128xf32, #tpu.memory_space<hbm>> -> memref<8x4x2x128xf32, #tpu.memory_space<hbm>>
    %dma_start3A_6 = arith.constant 56 : i32
    %dma_start3A_7 = arith.constant 0 : i32
    %dma_start3A_8 = arith.constant 0 : i32
    %dma_start3A_9 = tpu.memref_slice %arg2[%dma_start3A_6, %mul3A_2, %dma_start3A_7, %dma_start3A_8] : memref<64x128x2x128xf32, #tpu.memory_space<hbm>> -> memref<8x4x2x128xf32, #tpu.memory_space<hbm>>
    tpu.enqueue_dma source(%dma_start3A_9 : memref<8x4x2x128xf32, #tpu.memory_space<hbm>>) target(%arg4 : memref<8x4x2x128xf32, #tpu.memory_space<vmem>>) target_semaphore(%arg6 : memref<!tpu.dma_semaphore, #tpu.memory_space<semaphore_mem>>)
    %dma_wait3A = arith.constant 56 : i32
    %dma_wait3A_10 = arith.constant 0 : i32
    %dma_wait3A_11 = arith.constant 0 : i32
    %dma_wait3A_12 = tpu.memref_slice %arg2[%dma_wait3A, %mul3A_2, %dma_wait3A_10, %dma_wait3A_11] : memref<64x128x2x128xf32, #tpu.memory_space<hbm>> -> memref<8x4x2x128xf32, #tpu.memory_space<hbm>>
    %dma_wait3A_13 = arith.constant 56 : i32
    %dma_wait3A_14 = arith.constant 0 : i32
    %dma_wait3A_15 = arith.constant 0 : i32
    %dma_wait3A_16 = tpu.memref_slice %arg2[%dma_wait3A_13, %mul3A_2, %dma_wait3A_14, %dma_wait3A_15] : memref<64x128x2x128xf32, #tpu.memory_space<hbm>> -> memref<8x4x2x128xf32, #tpu.memory_space<hbm>>
    tpu.wait_dma2 semaphore(%arg6 : memref<!tpu.dma_semaphore, #tpu.memory_space<semaphore_mem>>) src(%dma_wait3A_16 : memref<8x4x2x128xf32, #tpu.memory_space<hbm>>) dst(%arg4 : memref<8x4x2x128xf32, #tpu.memory_space<vmem>>)
    %parallel_loop3A = arith.constant 0 : i32
    %parallel_loop3A_17 = arith.constant 32 : i32
    %parallel_loop3A_18 = arith.constant 1 : i32
    scf.for %parallel_loop3A_37 = %parallel_loop3A to %parallel_loop3A_17 step %parallel_loop3A_18  : i32 {
      %parallel_loop3A_38 = arith.constant 4 : i32
      %parallel_loop3A_39 = arith.divsi %parallel_loop3A_37, %parallel_loop3A_38 : i32
      %parallel_loop3A_40 = arith.constant 0 : i32
      %parallel_loop3A_41 = arith.cmpi sgt, %parallel_loop3A_37, %parallel_loop3A_40 : i32
      %parallel_loop3A_42 = arith.extui %parallel_loop3A_41 : i1 to i32
      %parallel_loop3A_43 = arith.constant 0 : i32
      %parallel_loop3A_44 = arith.cmpi slt, %parallel_loop3A_37, %parallel_loop3A_43 : i32
      %parallel_loop3A_45 = arith.extui %parallel_loop3A_44 : i1 to i32
      %parallel_loop3A_46 = arith.subi %parallel_loop3A_42, %parallel_loop3A_45 : i32
      %parallel_loop3A_47 = arith.constant 0 : i32
      %parallel_loop3A_48 = arith.cmpi sgt, %parallel_loop3A_38, %parallel_loop3A_47 : i32
      %parallel_loop3A_49 = arith.extui %parallel_loop3A_48 : i1 to i32
      %parallel_loop3A_50 = arith.constant 0 : i32
      %parallel_loop3A_51 = arith.cmpi slt, %parallel_loop3A_38, %parallel_loop3A_50 : i32
      %parallel_loop3A_52 = arith.extui %parallel_loop3A_51 : i1 to i32
      %parallel_loop3A_53 = arith.subi %parallel_loop3A_49, %parallel_loop3A_52 : i32
      %parallel_loop3A_54 = arith.cmpi ne, %parallel_loop3A_46, %parallel_loop3A_53 : i32
      %parallel_loop3A_55 = arith.remsi %parallel_loop3A_37, %parallel_loop3A_38 : i32
      %parallel_loop3A_56 = arith.constant 0 : i32
      %parallel_loop3A_57 = arith.cmpi ne, %parallel_loop3A_55, %parallel_loop3A_56 : i32
      %parallel_loop3A_58 = arith.andi %parallel_loop3A_54, %parallel_loop3A_57 : i1
      %parallel_loop3A_59 = arith.constant 1 : i32
      %parallel_loop3A_60 = arith.subi %parallel_loop3A_39, %parallel_loop3A_59 : i32
      %parallel_loop3A_61 = arith.select %parallel_loop3A_58, %parallel_loop3A_60, %parallel_loop3A_39 : i32
      %parallel_loop3A_62 = arith.constant 4 : i32
      %parallel_loop3A_63 = arith.constant 0 : i32
      %parallel_loop3A_64 = arith.cmpi eq, %parallel_loop3A_62, %parallel_loop3A_63 : i32
      %parallel_loop3A_65 = arith.constant 1 : i32
      %parallel_loop3A_66 = arith.select %parallel_loop3A_64, %parallel_loop3A_65, %parallel_loop3A_62 : i32
      %parallel_loop3A_67 = arith.remsi %parallel_loop3A_37, %parallel_loop3A_66 : i32
      %parallel_loop3A_68 = arith.constant 0 : i32
      %parallel_loop3A_69 = arith.cmpi ne, %parallel_loop3A_67, %parallel_loop3A_68 : i32
      %parallel_loop3A_70 = arith.constant 0 : i32
      %parallel_loop3A_71 = arith.cmpi slt, %parallel_loop3A_67, %parallel_loop3A_70 : i32
      %parallel_loop3A_72 = arith.constant 0 : i32
      %parallel_loop3A_73 = arith.cmpi slt, %parallel_loop3A_66, %parallel_loop3A_72 : i32
      %parallel_loop3A_74 = arith.xori %parallel_loop3A_71, %parallel_loop3A_73 : i1
      %parallel_loop3A_75 = arith.andi %parallel_loop3A_74, %parallel_loop3A_69 : i1
      %parallel_loop3A_76 = arith.addi %parallel_loop3A_67, %parallel_loop3A_66 : i32
      %parallel_loop3A_77 = arith.select %parallel_loop3A_75, %parallel_loop3A_76, %parallel_loop3A_67 : i32
      %parallel_loop3A_78 = arith.constant 0 : i32
      %parallel_loop3A_79 = arith.index_cast %parallel_loop3A_61 : i32 to index
      %parallel_loop3A_80 = arith.index_cast %parallel_loop3A_77 : i32 to index
      %parallel_loop3A_81 = arith.index_cast %parallel_loop3A_78 : i32 to index
      %parallel_loop3A_82 = arith.constant 0 : index
      %parallel_loop3A_83 = tpu.vector_load %arg4[%parallel_loop3A_79, %parallel_loop3A_80, %parallel_loop3A_81, %parallel_loop3A_82] {strides = array<i32>} : memref<8x4x2x128xf32, #tpu.memory_space<vmem>>, vector<1x1x1x16xf32>,
      %parallel_loop3A_84 = vector.shape_cast %parallel_loop3A_83 : vector<1x1x1x16xf32> to vector<16xf32>
      %parallel_loop3A_85 = arith.constant 1 : i32
      %parallel_loop3A_86 = arith.index_cast %parallel_loop3A_61 : i32 to index
      %parallel_loop3A_87 = arith.index_cast %parallel_loop3A_77 : i32 to index
      %parallel_loop3A_88 = arith.index_cast %parallel_loop3A_85 : i32 to index
      %parallel_loop3A_89 = arith.constant 0 : index
      %parallel_loop3A_90 = tpu.vector_load %arg4[%parallel_loop3A_86, %parallel_loop3A_87, %parallel_loop3A_88, %parallel_loop3A_89] {strides = array<i32>} : memref<8x4x2x128xf32, #tpu.memory_space<vmem>>, vector<1x1x1x16xf32>,
      %parallel_loop3A_91 = vector.shape_cast %parallel_loop3A_90 : vector<1x1x1x16xf32> to vector<16xf32>
      %parallel_loop3A_92 = math.absf %parallel_loop3A_84 : vector<16xf32>
      %parallel_loop3A_93 = arith.constant 4.000000e+00 : f32
      %parallel_loop3A_94 = vector.broadcast %parallel_loop3A_93 : f32 to vector<16xf32>
      %parallel_loop3A_95 = arith.mulf %parallel_loop3A_92, %parallel_loop3A_94 : vector<16xf32>
      %parallel_loop3A_96 = arith.constant 3.000000e+00 : f32
      %parallel_loop3A_97 = vector.broadcast %parallel_loop3A_96 : f32 to vector<16xf32>
      %parallel_loop3A_98 = arith.subf %parallel_loop3A_95, %parallel_loop3A_97 : vector<16xf32>
      %parallel_loop3A_99 = arith.constant 0.000000e+00 : f32
      %parallel_loop3A_100 = vector.broadcast %parallel_loop3A_99 : f32 to vector<16xf32>
      %parallel_loop3A_101 = arith.maximumf %parallel_loop3A_98, %parallel_loop3A_100 : vector<16xf32>
      %parallel_loop3A_102 = arith.constant 3.000000e+01 : f32
      %parallel_loop3A_103 = vector.broadcast %parallel_loop3A_102 : f32 to vector<16xf32>
      %parallel_loop3A_104 = arith.minimumf %parallel_loop3A_101, %parallel_loop3A_103 : vector<16xf32>
      %parallel_loop3A_105 = math.absf %parallel_loop3A_91 : vector<16xf32>
      %parallel_loop3A_106 = arith.constant 4.000000e+00 : f32
      %parallel_loop3A_107 = vector.broadcast %parallel_loop3A_106 : f32 to vector<16xf32>
      %parallel_loop3A_108 = arith.mulf %parallel_loop3A_105, %parallel_loop3A_107 : vector<16xf32>
      %parallel_loop3A_109 = arith.constant 3.000000e+00 : f32
      %parallel_loop3A_110 = vector.broadcast %parallel_loop3A_109 : f32 to vector<16xf32>
      %parallel_loop3A_111 = arith.subf %parallel_loop3A_108, %parallel_loop3A_110 : vector<16xf32>
      %parallel_loop3A_112 = arith.constant 0.000000e+00 : f32
      %parallel_loop3A_113 = vector.broadcast %parallel_loop3A_112 : f32 to vector<16xf32>
      %parallel_loop3A_114 = arith.maximumf %parallel_loop3A_111, %parallel_loop3A_113 : vector<16xf32>
      %parallel_loop3A_115 = arith.constant 3.000000e+01 : f32
      %parallel_loop3A_116 = vector.broadcast %parallel_loop3A_115 : f32 to vector<16xf32>
      %parallel_loop3A_117 = arith.minimumf %parallel_loop3A_114, %parallel_loop3A_116 : vector<16xf32>
      %parallel_loop3A_118 = arith.mulf %parallel_loop3A_84, %parallel_loop3A_84 : vector<16xf32>
      %parallel_loop3A_119 = arith.mulf %parallel_loop3A_91, %parallel_loop3A_91 : vector<16xf32>
      %parallel_loop3A_120 = arith.addf %parallel_loop3A_118, %parallel_loop3A_119 : vector<16xf32>
      %parallel_loop3A_121 = tpu.bitcast %parallel_loop3A_120 : vector<16xf32> -> vector<16xi32>
      %parallel_loop3A_122 = arith.constant 1 : i32
      %parallel_loop3A_123 = vector.broadcast %parallel_loop3A_122 : i32 to vector<16xi32>
      %parallel_loop3A_124 = arith.shrsi %parallel_loop3A_121, %parallel_loop3A_123 : vector<16xi32>
      %parallel_loop3A_125 = arith.constant 1597463007 : i32
      %parallel_loop3A_126 = vector.broadcast %parallel_loop3A_125 : i32 to vector<16xi32>
      %parallel_loop3A_127 = arith.subi %parallel_loop3A_126, %parallel_loop3A_124 : vector<16xi32>
      %parallel_loop3A_128 = tpu.bitcast %parallel_loop3A_127 : vector<16xi32> -> vector<16xf32>
      %parallel_loop3A_129 = arith.constant 5.000000e-01 : f32
      %parallel_loop3A_130 = vector.broadcast %parallel_loop3A_129 : f32 to vector<16xf32>
      %parallel_loop3A_131 = arith.mulf %parallel_loop3A_130, %parallel_loop3A_120 : vector<16xf32>
      %parallel_loop3A_132 = arith.mulf %parallel_loop3A_131, %parallel_loop3A_128 : vector<16xf32>
      %parallel_loop3A_133 = arith.mulf %parallel_loop3A_132, %parallel_loop3A_128 : vector<16xf32>
      %parallel_loop3A_134 = arith.constant 1.500000e+00 : f32
      %parallel_loop3A_135 = vector.broadcast %parallel_loop3A_134 : f32 to vector<16xf32>
      %parallel_loop3A_136 = arith.subf %parallel_loop3A_135, %parallel_loop3A_133 : vector<16xf32>
      %parallel_loop3A_137 = arith.mulf %parallel_loop3A_128, %parallel_loop3A_136 : vector<16xf32>
      %parallel_loop3A_138 = arith.mulf %parallel_loop3A_120, %parallel_loop3A_137 : vector<16xf32>
      %parallel_loop3A_139 = arith.constant 8.000000e+00 : f32
      %parallel_loop3A_140 = vector.broadcast %parallel_loop3A_139 : f32 to vector<16xf32>
      %parallel_loop3A_141 = arith.mulf %parallel_loop3A_138, %parallel_loop3A_140 : vector<16xf32>
      %parallel_loop3A_142 = arith.constant 1.000000e+00 : f32
      %parallel_loop3A_143 = vector.broadcast %parallel_loop3A_142 : f32 to vector<16xf32>
      %parallel_loop3A_144 = arith.subf %parallel_loop3A_141, %parallel_loop3A_143 : vector<16xf32>
      %parallel_loop3A_145 = arith.constant 0.000000e+00 : f32
      %parallel_loop3A_146 = vector.broadcast %parallel_loop3A_145 : f32 to vector<16xf32>
      %parallel_loop3A_147 = arith.maximumf %parallel_loop3A_144, %parallel_loop3A_146 : vector<16xf32>
      %parallel_loop3A_148 = arith.constant 2.000000e+01 : f32
      %parallel_loop3A_149 = vector.broadcast %parallel_loop3A_148 : f32 to vector<16xf32>
      %parallel_loop3A_150 = arith.minimumf %parallel_loop3A_147, %parallel_loop3A_149 : vector<16xf32>
      %parallel_loop3A_151 = arith.mulf %parallel_loop3A_104, %parallel_loop3A_104 : vector<16xf32>
      %parallel_loop3A_152 = arith.mulf %parallel_loop3A_117, %parallel_loop3A_117 : vector<16xf32>
      %parallel_loop3A_153 = arith.addf %parallel_loop3A_151, %parallel_loop3A_152 : vector<16xf32>
      %parallel_loop3A_154 = arith.mulf %parallel_loop3A_150, %parallel_loop3A_150 : vector<16xf32>
      %parallel_loop3A_155 = arith.addf %parallel_loop3A_153, %parallel_loop3A_154 : vector<16xf32>
      %parallel_loop3A_156 = arith.constant 1.000000e-01 : f32
      %parallel_loop3A_157 = vector.broadcast %parallel_loop3A_156 : f32 to vector<16xf32>
      %parallel_loop3A_158 = arith.mulf %parallel_loop3A_157, %parallel_loop3A_155 : vector<16xf32>
      %parallel_loop3A_159 = arith.index_cast %parallel_loop3A_77 : i32 to index
      %parallel_loop3A_160 = arith.index_cast %parallel_loop3A_61 : i32 to index
      %parallel_loop3A_161 = arith.constant 0 : index
      %parallel_loop3A_162 = tpu.vector_load %arg5[%parallel_loop3A_159, %parallel_loop3A_160, %parallel_loop3A_161] {strides = array<i32>} : memref<4x8x128xf32, #tpu.memory_space<vmem>>, vector<1x1x16xf32>,
      %parallel_loop3A_163 = vector.shape_cast %parallel_loop3A_162 : vector<1x1x16xf32> to vector<16xf32>
      %parallel_loop3A_164 = vector.shape_cast %parallel_loop3A_158 : vector<16xf32> to vector<1x1x16xf32>
      tpu.vector_store %arg5[%parallel_loop3A_159, %parallel_loop3A_160, %parallel_loop3A_161], %parallel_loop3A_164 {strides = array<i32>} : memref<4x8x128xf32, #tpu.memory_space<vmem>>, vector<1x1x16xf32>,
      %parallel_loop3A_165 = arith.constant 0 : i32
      %parallel_loop3A_166 = arith.index_cast %parallel_loop3A_61 : i32 to index
      %parallel_loop3A_167 = arith.index_cast %parallel_loop3A_77 : i32 to index
      %parallel_loop3A_168 = arith.index_cast %parallel_loop3A_165 : i32 to index
      %parallel_loop3A_169 = arith.constant 16 : index
      %parallel_loop3A_170 = tpu.vector_load %arg4[%parallel_loop3A_166, %parallel_loop3A_167, %parallel_loop3A_168, %parallel_loop3A_169] {strides = array<i32>} : memref<8x4x2x128xf32, #tpu.memory_space<vmem>>, vector<1x1x1x16xf32>,
      %parallel_loop3A_171 = vector.shape_cast %parallel_loop3A_170 : vector<1x1x1x16xf32> to vector<16xf32>
      %parallel_loop3A_172 = arith.constant 1 : i32
      %parallel_loop3A_173 = arith.index_cast %parallel_loop3A_61 : i32 to index
      %parallel_loop3A_174 = arith.index_cast %parallel_loop3A_77 : i32 to index
      %parallel_loop3A_175 = arith.index_cast %parallel_loop3A_172 : i32 to index
      %parallel_loop3A_176 = arith.constant 16 : index
      %parallel_loop3A_177 = tpu.vector_load %arg4[%parallel_loop3A_173, %parallel_loop3A_174, %parallel_loop3A_175, %parallel_loop3A_176] {strides = array<i32>} : memref<8x4x2x128xf32, #tpu.memory_space<vmem>>, vector<1x1x1x16xf32>,
      %parallel_loop3A_178 = vector.shape_cast %parallel_loop3A_177 : vector<1x1x1x16xf32> to vector<16xf32>
      %parallel_loop3A_179 = math.absf %parallel_loop3A_171 : vector<16xf32>
      %parallel_loop3A_180 = arith.constant 4.000000e+00 : f32
      %parallel_loop3A_181 = vector.broadcast %parallel_loop3A_180 : f32 to vector<16xf32>
      %parallel_loop3A_182 = arith.mulf %parallel_loop3A_179, %parallel_loop3A_181 : vector<16xf32>
      %parallel_loop3A_183 = arith.constant 3.000000e+00 : f32
      %parallel_loop3A_184 = vector.broadcast %parallel_loop3A_183 : f32 to vector<16xf32>
      %parallel_loop3A_185 = arith.subf %parallel_loop3A_182, %parallel_loop3A_184 : vector<16xf32>
      %parallel_loop3A_186 = arith.constant 0.000000e+00 : f32
      %parallel_loop3A_187 = vector.broadcast %parallel_loop3A_186 : f32 to vector<16xf32>
      %parallel_loop3A_188 = arith.maximumf %parallel_loop3A_185, %parallel_loop3A_187 : vector<16xf32>
      %parallel_loop3A_189 = arith.constant 3.000000e+01 : f32
      %parallel_loop3A_190 = vector.broadcast %parallel_loop3A_189 : f32 to vector<16xf32>
      %parallel_loop3A_191 = arith.minimumf %parallel_loop3A_188, %parallel_loop3A_190 : vector<16xf32>
      %parallel_loop3A_192 = math.absf %parallel_loop3A_178 : vector<16xf32>
      %parallel_loop3A_193 = arith.constant 4.000000e+00 : f32
      %parallel_loop3A_194 = vector.broadcast %parallel_loop3A_193 : f32 to vector<16xf32>
      %parallel_loop3A_195 = arith.mulf %parallel_loop3A_192, %parallel_loop3A_194 : vector<16xf32>
      %parallel_loop3A_196 = arith.constant 3.000000e+00 : f32
      %parallel_loop3A_197 = vector.broadcast %parallel_loop3A_196 : f32 to vector<16xf32>
      %parallel_loop3A_198 = arith.subf %parallel_loop3A_195, %parallel_loop3A_197 : vector<16xf32>
      %parallel_loop3A_199 = arith.constant 0.000000e+00 : f32
      %parallel_loop3A_200 = vector.broadcast %parallel_loop3A_199 : f32 to vector<16xf32>
      %parallel_loop3A_201 = arith.maximumf %parallel_loop3A_198, %parallel_loop3A_200 : vector<16xf32>
      %parallel_loop3A_202 = arith.constant 3.000000e+01 : f32
      %parallel_loop3A_203 = vector.broadcast %parallel_loop3A_202 : f32 to vector<16xf32>
      %parallel_loop3A_204 = arith.minimumf %parallel_loop3A_201, %parallel_loop3A_203 : vector<16xf32>
      %parallel_loop3A_205 = arith.mulf %parallel_loop3A_171, %parallel_loop3A_171 : vector<16xf32>
      %parallel_loop3A_206 = arith.mulf %parallel_loop3A_178, %parallel_loop3A_178 : vector<16xf32>
      %parallel_loop3A_207 = arith.addf %parallel_loop3A_205, %parallel_loop3A_206 : vector<16xf32>
      %parallel_loop3A_208 = tpu.bitcast %parallel_loop3A_207 : vector<16xf32> -> vector<16xi32>
      %parallel_loop3A_209 = arith.constant 1 : i32
      %parallel_loop3A_210 = vector.broadcast %parallel_loop3A_209 : i32 to vector<16xi32>
      %parallel_loop3A_211 = arith.shrsi %parallel_loop3A_208, %parallel_loop3A_210 : vector<16xi32>
      %parallel_loop3A_212 = arith.constant 1597463007 : i32
      %parallel_loop3A_213 = vector.broadcast %parallel_loop3A_212 : i32 to vector<16xi32>
      %parallel_loop3A_214 = arith.subi %parallel_loop3A_213, %parallel_loop3A_211 : vector<16xi32>
      %parallel_loop3A_215 = tpu.bitcast %parallel_loop3A_214 : vector<16xi32> -> vector<16xf32>
      %parallel_loop3A_216 = arith.constant 5.000000e-01 : f32
      %parallel_loop3A_217 = vector.broadcast %parallel_loop3A_216 : f32 to vector<16xf32>
      %parallel_loop3A_218 = arith.mulf %parallel_loop3A_217, %parallel_loop3A_207 : vector<16xf32>
      %parallel_loop3A_219 = arith.mulf %parallel_loop3A_218, %parallel_loop3A_215 : vector<16xf32>
      %parallel_loop3A_220 = arith.mulf %parallel_loop3A_219, %parallel_loop3A_215 : vector<16xf32>
      %parallel_loop3A_221 = arith.constant 1.500000e+00 : f32
      %parallel_loop3A_222 = vector.broadcast %parallel_loop3A_221 : f32 to vector<16xf32>
      %parallel_loop3A_223 = arith.subf %parallel_loop3A_222, %parallel_loop3A_220 : vector<16xf32>
      %parallel_loop3A_224 = arith.mulf %parallel_loop3A_215, %parallel_loop3A_223 : vector<16xf32>
      %parallel_loop3A_225 = arith.mulf %parallel_loop3A_207, %parallel_loop3A_224 : vector<16xf32>
      %parallel_loop3A_226 = arith.constant 8.000000e+00 : f32
      %parallel_loop3A_227 = vector.broadcast %parallel_loop3A_226 : f32 to vector<16xf32>
      %parallel_loop3A_228 = arith.mulf %parallel_loop3A_225, %parallel_loop3A_227 : vector<16xf32>
      %parallel_loop3A_229 = arith.constant 1.000000e+00 : f32
      %parallel_loop3A_230 = vector.broadcast %parallel_loop3A_229 : f32 to vector<16xf32>
      %parallel_loop3A_231 = arith.subf %parallel_loop3A_228, %parallel_loop3A_230 : vector<16xf32>
      %parallel_loop3A_232 = arith.constant 0.000000e+00 : f32
      %parallel_loop3A_233 = vector.broadcast %parallel_loop3A_232 : f32 to vector<16xf32>
      %parallel_loop3A_234 = arith.maximumf %parallel_loop3A_231, %parallel_loop3A_233 : vector<16xf32>
      %parallel_loop3A_235 = arith.constant 2.000000e+01 : f32
      %parallel_loop3A_236 = vector.broadcast %parallel_loop3A_235 : f32 to vector<16xf32>
      %parallel_loop3A_237 = arith.minimumf %parallel_loop3A_234, %parallel_loop3A_236 : vector<16xf32>
      %parallel_loop3A_238 = arith.mulf %parallel_loop3A_191, %parallel_loop3A_191 : vector<16xf32>
      %parallel_loop3A_239 = arith.mulf %parallel_loop3A_204, %parallel_loop3A_204 : vector<16xf32>
      %parallel_loop3A_240 = arith.addf %parallel_loop3A_238, %parallel_loop3A_239 : vector<16xf32>
      %parallel_loop3A_241 = arith.mulf %parallel_loop3A_237, %parallel_loop3A_237 : vector<16xf32>
      %parallel_loop3A_242 = arith.addf %parallel_loop3A_240, %parallel_loop3A_241 : vector<16xf32>
      %parallel_loop3A_243 = arith.constant 1.000000e-01 : f32
      %parallel_loop3A_244 = vector.broadcast %parallel_loop3A_243 : f32 to vector<16xf32>
      %parallel_loop3A_245 = arith.mulf %parallel_loop3A_244, %parallel_loop3A_242 : vector<16xf32>
      %parallel_loop3A_246 = arith.index_cast %parallel_loop3A_77 : i32 to index
      %parallel_loop3A_247 = arith.index_cast %parallel_loop3A_61 : i32 to index
      %parallel_loop3A_248 = arith.constant 16 : index
      %parallel_loop3A_249 = tpu.vector_load %arg5[%parallel_loop3A_246, %parallel_loop3A_247, %parallel_loop3A_248] {strides = array<i32>} : memref<4x8x128xf32, #tpu.memory_space<vmem>>, vector<1x1x16xf32>,
      %parallel_loop3A_250 = vector.shape_cast %parallel_loop3A_249 : vector<1x1x16xf32> to vector<16xf32>
      %parallel_loop3A_251 = vector.shape_cast %parallel_loop3A_245 : vector<16xf32> to vector<1x1x16xf32>
      tpu.vector_store %arg5[%parallel_loop3A_246, %parallel_loop3A_247, %parallel_loop3A_248], %parallel_loop3A_251 {strides = array<i32>} : memref<4x8x128xf32, #tpu.memory_space<vmem>>, vector<1x1x16xf32>,
      %parallel_loop3A_252 = arith.constant 0 : i32
      %parallel_loop3A_253 = arith.index_cast %parallel_loop3A_61 : i32 to index
      %parallel_loop3A_254 = arith.index_cast %parallel_loop3A_77 : i32 to index
      %parallel_loop3A_255 = arith.index_cast %parallel_loop3A_252 : i32 to index
      %parallel_loop3A_256 = arith.constant 32 : index
      %parallel_loop3A_257 = tpu.vector_load %arg4[%parallel_loop3A_253, %parallel_loop3A_254, %parallel_loop3A_255, %parallel_loop3A_256] {strides = array<i32>} : memref<8x4x2x128xf32, #tpu.memory_space<vmem>>, vector<1x1x1x16xf32>,
      %parallel_loop3A_258 = vector.shape_cast %parallel_loop3A_257 : vector<1x1x1x16xf32> to vector<16xf32>
      %parallel_loop3A_259 = arith.constant 1 : i32
      %parallel_loop3A_260 = arith.index_cast %parallel_loop3A_61 : i32 to index
      %parallel_loop3A_261 = arith.index_cast %parallel_loop3A_77 : i32 to index
      %parallel_loop3A_262 = arith.index_cast %parallel_loop3A_259 : i32 to index
      %parallel_loop3A_263 = arith.constant 32 : index
      %parallel_loop3A_264 = tpu.vector_load %arg4[%parallel_loop3A_260, %parallel_loop3A_261, %parallel_loop3A_262, %parallel_loop3A_263] {strides = array<i32>} : memref<8x4x2x128xf32, #tpu.memory_space<vmem>>, vector<1x1x1x16xf32>,
      %parallel_loop3A_265 = vector.shape_cast %parallel_loop3A_264 : vector<1x1x1x16xf32> to vector<16xf32>
      %parallel_loop3A_266 = math.absf %parallel_loop3A_258 : vector<16xf32>
      %parallel_loop3A_267 = arith.constant 4.000000e+00 : f32
      %parallel_loop3A_268 = vector.broadcast %parallel_loop3A_267 : f32 to vector<16xf32>
      %parallel_loop3A_269 = arith.mulf %parallel_loop3A_266, %parallel_loop3A_268 : vector<16xf32>
      %parallel_loop3A_270 = arith.constant 3.000000e+00 : f32
      %parallel_loop3A_271 = vector.broadcast %parallel_loop3A_270 : f32 to vector<16xf32>
      %parallel_loop3A_272 = arith.subf %parallel_loop3A_269, %parallel_loop3A_271 : vector<16xf32>
      %parallel_loop3A_273 = arith.constant 0.000000e+00 : f32
      %parallel_loop3A_274 = vector.broadcast %parallel_loop3A_273 : f32 to vector<16xf32>
      %parallel_loop3A_275 = arith.maximumf %parallel_loop3A_272, %parallel_loop3A_274 : vector<16xf32>
      %parallel_loop3A_276 = arith.constant 3.000000e+01 : f32
      %parallel_loop3A_277 = vector.broadcast %parallel_loop3A_276 : f32 to vector<16xf32>
      %parallel_loop3A_278 = arith.minimumf %parallel_loop3A_275, %parallel_loop3A_277 : vector<16xf32>
      %parallel_loop3A_279 = math.absf %parallel_loop3A_265 : vector<16xf32>
      %parallel_loop3A_280 = arith.constant 4.000000e+00 : f32
      %parallel_loop3A_281 = vector.broadcast %parallel_loop3A_280 : f32 to vector<16xf32>
      %parallel_loop3A_282 = arith.mulf %parallel_loop3A_279, %parallel_loop3A_281 : vector<16xf32>
      %parallel_loop3A_283 = arith.constant 3.000000e+00 : f32
      %parallel_loop3A_284 = vector.broadcast %parallel_loop3A_283 : f32 to vector<16xf32>
      %parallel_loop3A_285 = arith.subf %parallel_loop3A_282, %parallel_loop3A_284 : vector<16xf32>
      %parallel_loop3A_286 = arith.constant 0.000000e+00 : f32
      %parallel_loop3A_287 = vector.broadcast %parallel_loop3A_286 : f32 to vector<16xf32>
      %parallel_loop3A_288 = arith.maximumf %parallel_loop3A_285, %parallel_loop3A_287 : vector<16xf32>
      %parallel_loop3A_289 = arith.constant 3.000000e+01 : f32
      %parallel_loop3A_290 = vector.broadcast %parallel_loop3A_289 : f32 to vector<16xf32>
      %parallel_loop3A_291 = arith.minimumf %parallel_loop3A_288, %parallel_loop3A_290 : vector<16xf32>
      %parallel_loop3A_292 = arith.mulf %parallel_loop3A_258, %parallel_loop3A_258 : vector<16xf32>
      %parallel_loop3A_293 = arith.mulf %parallel_loop3A_265, %parallel_loop3A_265 : vector<16xf32>
      %parallel_loop3A_294 = arith.addf %parallel_loop3A_292, %parallel_loop3A_293 : vector<16xf32>
      %parallel_loop3A_295 = tpu.bitcast %parallel_loop3A_294 : vector<16xf32> -> vector<16xi32>
      %parallel_loop3A_296 = arith.constant 1 : i32
      %parallel_loop3A_297 = vector.broadcast %parallel_loop3A_296 : i32 to vector<16xi32>
      %parallel_loop3A_298 = arith.shrsi %parallel_loop3A_295, %parallel_loop3A_297 : vector<16xi32>
      %parallel_loop3A_299 = arith.constant 1597463007 : i32
      %parallel_loop3A_300 = vector.broadcast %parallel_loop3A_299 : i32 to vector<16xi32>
      %parallel_loop3A_301 = arith.subi %parallel_loop3A_300, %parallel_loop3A_298 : vector<16xi32>
      %parallel_loop3A_302 = tpu.bitcast %parallel_loop3A_301 : vector<16xi32> -> vector<16xf32>
      %parallel_loop3A_303 = arith.constant 5.000000e-01 : f32
      %parallel_loop3A_304 = vector.broadcast %parallel_loop3A_303 : f32 to vector<16xf32>
      %parallel_loop3A_305 = arith.mulf %parallel_loop3A_304, %parallel_loop3A_294 : vector<16xf32>
      %parallel_loop3A_306 = arith.mulf %parallel_loop3A_305, %parallel_loop3A_302 : vector<16xf32>
      %parallel_loop3A_307 = arith.mulf %parallel_loop3A_306, %parallel_loop3A_302 : vector<16xf32>
      %parallel_loop3A_308 = arith.constant 1.500000e+00 : f32
      %parallel_loop3A_309 = vector.broadcast %parallel_loop3A_308 : f32 to vector<16xf32>
      %parallel_loop3A_310 = arith.subf %parallel_loop3A_309, %parallel_loop3A_307 : vector<16xf32>
      %parallel_loop3A_311 = arith.mulf %parallel_loop3A_302, %parallel_loop3A_310 : vector<16xf32>
      %parallel_loop3A_312 = arith.mulf %parallel_loop3A_294, %parallel_loop3A_311 : vector<16xf32>
      %parallel_loop3A_313 = arith.constant 8.000000e+00 : f32
      %parallel_loop3A_314 = vector.broadcast %parallel_loop3A_313 : f32 to vector<16xf32>
      %parallel_loop3A_315 = arith.mulf %parallel_loop3A_312, %parallel_loop3A_314 : vector<16xf32>
      %parallel_loop3A_316 = arith.constant 1.000000e+00 : f32
      %parallel_loop3A_317 = vector.broadcast %parallel_loop3A_316 : f32 to vector<16xf32>
      %parallel_loop3A_318 = arith.subf %parallel_loop3A_315, %parallel_loop3A_317 : vector<16xf32>
      %parallel_loop3A_319 = arith.constant 0.000000e+00 : f32
      %parallel_loop3A_320 = vector.broadcast %parallel_loop3A_319 : f32 to vector<16xf32>
      %parallel_loop3A_321 = arith.maximumf %parallel_loop3A_318, %parallel_loop3A_320 : vector<16xf32>
      %parallel_loop3A_322 = arith.constant 2.000000e+01 : f32
      %parallel_loop3A_323 = vector.broadcast %parallel_loop3A_322 : f32 to vector<16xf32>
      %parallel_loop3A_324 = arith.minimumf %parallel_loop3A_321, %parallel_loop3A_323 : vector<16xf32>
      %parallel_loop3A_325 = arith.mulf %parallel_loop3A_278, %parallel_loop3A_278 : vector<16xf32>
      %parallel_loop3A_326 = arith.mulf %parallel_loop3A_291, %parallel_loop3A_291 : vector<16xf32>
      %parallel_loop3A_327 = arith.addf %parallel_loop3A_325, %parallel_loop3A_326 : vector<16xf32>
      %parallel_loop3A_328 = arith.mulf %parallel_loop3A_324, %parallel_loop3A_324 : vector<16xf32>
      %parallel_loop3A_329 = arith.addf %parallel_loop3A_327, %parallel_loop3A_328 : vector<16xf32>
      %parallel_loop3A_330 = arith.constant 1.000000e-01 : f32
      %parallel_loop3A_331 = vector.broadcast %parallel_loop3A_330 : f32 to vector<16xf32>
      %parallel_loop3A_332 = arith.mulf %parallel_loop3A_331, %parallel_loop3A_329 : vector<16xf32>
      %parallel_loop3A_333 = arith.index_cast %parallel_loop3A_77 : i32 to index
      %parallel_loop3A_334 = arith.index_cast %parallel_loop3A_61 : i32 to index
      %parallel_loop3A_335 = arith.constant 32 : index
      %parallel_loop3A_336 = tpu.vector_load %arg5[%parallel_loop3A_333, %parallel_loop3A_334, %parallel_loop3A_335] {strides = array<i32>} : memref<4x8x128xf32, #tpu.memory_space<vmem>>, vector<1x1x16xf32>,
      %parallel_loop3A_337 = vector.shape_cast %parallel_loop3A_336 : vector<1x1x16xf32> to vector<16xf32>
      %parallel_loop3A_338 = vector.shape_cast %parallel_loop3A_332 : vector<16xf32> to vector<1x1x16xf32>
      tpu.vector_store %arg5[%parallel_loop3A_333, %parallel_loop3A_334, %parallel_loop3A_335], %parallel_loop3A_338 {strides = array<i32>} : memref<4x8x128xf32, #tpu.memory_space<vmem>>, vector<1x1x16xf32>,
      %parallel_loop3A_339 = arith.constant 0 : i32
      %parallel_loop3A_340 = arith.index_cast %parallel_loop3A_61 : i32 to index
      %parallel_loop3A_341 = arith.index_cast %parallel_loop3A_77 : i32 to index
      %parallel_loop3A_342 = arith.index_cast %parallel_loop3A_339 : i32 to index
      %parallel_loop3A_343 = arith.constant 48 : index
      %parallel_loop3A_344 = tpu.vector_load %arg4[%parallel_loop3A_340, %parallel_loop3A_341, %parallel_loop3A_342, %parallel_loop3A_343] {strides = array<i32>} : memref<8x4x2x128xf32, #tpu.memory_space<vmem>>, vector<1x1x1x16xf32>,
      %parallel_loop3A_345 = vector.shape_cast %parallel_loop3A_344 : vector<1x1x1x16xf32> to vector<16xf32>
      %parallel_loop3A_346 = arith.constant 1 : i32
      %parallel_loop3A_347 = arith.index_cast %parallel_loop3A_61 : i32 to index
      %parallel_loop3A_348 = arith.index_cast %parallel_loop3A_77 : i32 to index
      %parallel_loop3A_349 = arith.index_cast %parallel_loop3A_346 : i32 to index
      %parallel_loop3A_350 = arith.constant 48 : index
      %parallel_loop3A_351 = tpu.vector_load %arg4[%parallel_loop3A_347, %parallel_loop3A_348, %parallel_loop3A_349, %parallel_loop3A_350] {strides = array<i32>} : memref<8x4x2x128xf32, #tpu.memory_space<vmem>>, vector<1x1x1x16xf32>,
      %parallel_loop3A_352 = vector.shape_cast %parallel_loop3A_351 : vector<1x1x1x16xf32> to vector<16xf32>
      %parallel_loop3A_353 = math.absf %parallel_loop3A_345 : vector<16xf32>
      %parallel_loop3A_354 = arith.constant 4.000000e+00 : f32
      %parallel_loop3A_355 = vector.broadcast %parallel_loop3A_354 : f32 to vector<16xf32>
      %parallel_loop3A_356 = arith.mulf %parallel_loop3A_353, %parallel_loop3A_355 : vector<16xf32>
      %parallel_loop3A_357 = arith.constant 3.000000e+00 : f32
      %parallel_loop3A_358 = vector.broadcast %parallel_loop3A_357 : f32 to vector<16xf32>
      %parallel_loop3A_359 = arith.subf %parallel_loop3A_356, %parallel_loop3A_358 : vector<16xf32>
      %parallel_loop3A_360 = arith.constant 0.000000e+00 : f32
      %parallel_loop3A_361 = vector.broadcast %parallel_loop3A_360 : f32 to vector<16xf32>
      %parallel_loop3A_362 = arith.maximumf %parallel_loop3A_359, %parallel_loop3A_361 : vector<16xf32>
      %parallel_loop3A_363 = arith.constant 3.000000e+01 : f32
      %parallel_loop3A_364 = vector.broadcast %parallel_loop3A_363 : f32 to vector<16xf32>
      %parallel_loop3A_365 = arith.minimumf %parallel_loop3A_362, %parallel_loop3A_364 : vector<16xf32>
      %parallel_loop3A_366 = math.absf %parallel_loop3A_352 : vector<16xf32>
      %parallel_loop3A_367 = arith.constant 4.000000e+00 : f32
      %parallel_loop3A_368 = vector.broadcast %parallel_loop3A_367 : f32 to vector<16xf32>
      %parallel_loop3A_369 = arith.mulf %parallel_loop3A_366, %parallel_loop3A_368 : vector<16xf32>
      %parallel_loop3A_370 = arith.constant 3.000000e+00 : f32
      %parallel_loop3A_371 = vector.broadcast %parallel_loop3A_370 : f32 to vector<16xf32>
      %parallel_loop3A_372 = arith.subf %parallel_loop3A_369, %parallel_loop3A_371 : vector<16xf32>
      %parallel_loop3A_373 = arith.constant 0.000000e+00 : f32
      %parallel_loop3A_374 = vector.broadcast %parallel_loop3A_373 : f32 to vector<16xf32>
      %parallel_loop3A_375 = arith.maximumf %parallel_loop3A_372, %parallel_loop3A_374 : vector<16xf32>
      %parallel_loop3A_376 = arith.constant 3.000000e+01 : f32
      %parallel_loop3A_377 = vector.broadcast %parallel_loop3A_376 : f32 to vector<16xf32>
      %parallel_loop3A_378 = arith.minimumf %parallel_loop3A_375, %parallel_loop3A_377 : vector<16xf32>
      %parallel_loop3A_379 = arith.mulf %parallel_loop3A_345, %parallel_loop3A_345 : vector<16xf32>
      %parallel_loop3A_380 = arith.mulf %parallel_loop3A_352, %parallel_loop3A_352 : vector<16xf32>
      %parallel_loop3A_381 = arith.addf %parallel_loop3A_379, %parallel_loop3A_380 : vector<16xf32>
      %parallel_loop3A_382 = tpu.bitcast %parallel_loop3A_381 : vector<16xf32> -> vector<16xi32>
      %parallel_loop3A_383 = arith.constant 1 : i32
      %parallel_loop3A_384 = vector.broadcast %parallel_loop3A_383 : i32 to vector<16xi32>
      %parallel_loop3A_385 = arith.shrsi %parallel_loop3A_382, %parallel_loop3A_384 : vector<16xi32>
      %parallel_loop3A_386 = arith.constant 1597463007 : i32
      %parallel_loop3A_387 = vector.broadcast %parallel_loop3A_386 : i32 to vector<16xi32>
      %parallel_loop3A_388 = arith.subi %parallel_loop3A_387, %parallel_loop3A_385 : vector<16xi32>
      %parallel_loop3A_389 = tpu.bitcast %parallel_loop3A_388 : vector<16xi32> -> vector<16xf32>
      %parallel_loop3A_390 = arith.constant 5.000000e-01 : f32
      %parallel_loop3A_391 = vector.broadcast %parallel_loop3A_390 : f32 to vector<16xf32>
      %parallel_loop3A_392 = arith.mulf %parallel_loop3A_391, %parallel_loop3A_381 : vector<16xf32>
      %parallel_loop3A_393 = arith.mulf %parallel_loop3A_392, %parallel_loop3A_389 : vector<16xf32>
      %parallel_loop3A_394 = arith.mulf %parallel_loop3A_393, %parallel_loop3A_389 : vector<16xf32>
      %parallel_loop3A_395 = arith.constant 1.500000e+00 : f32
      %parallel_loop3A_396 = vector.broadcast %parallel_loop3A_395 : f32 to vector<16xf32>
      %parallel_loop3A_397 = arith.subf %parallel_loop3A_396, %parallel_loop3A_394 : vector<16xf32>
      %parallel_loop3A_398 = arith.mulf %parallel_loop3A_389, %parallel_loop3A_397 : vector<16xf32>
      %parallel_loop3A_399 = arith.mulf %parallel_loop3A_381, %parallel_loop3A_398 : vector<16xf32>
      %parallel_loop3A_400 = arith.constant 8.000000e+00 : f32
      %parallel_loop3A_401 = vector.broadcast %parallel_loop3A_400 : f32 to vector<16xf32>
      %parallel_loop3A_402 = arith.mulf %parallel_loop3A_399, %parallel_loop3A_401 : vector<16xf32>
      %parallel_loop3A_403 = arith.constant 1.000000e+00 : f32
      %parallel_loop3A_404 = vector.broadcast %parallel_loop3A_403 : f32 to vector<16xf32>
      %parallel_loop3A_405 = arith.subf %parallel_loop3A_402, %parallel_loop3A_404 : vector<16xf32>
      %parallel_loop3A_406 = arith.constant 0.000000e+00 : f32
      %parallel_loop3A_407 = vector.broadcast %parallel_loop3A_406 : f32 to vector<16xf32>
      %parallel_loop3A_408 = arith.maximumf %parallel_loop3A_405, %parallel_loop3A_407 : vector<16xf32>
      %parallel_loop3A_409 = arith.constant 2.000000e+01 : f32
      %parallel_loop3A_410 = vector.broadcast %parallel_loop3A_409 : f32 to vector<16xf32>
      %parallel_loop3A_411 = arith.minimumf %parallel_loop3A_408, %parallel_loop3A_410 : vector<16xf32>
      %parallel_loop3A_412 = arith.mulf %parallel_loop3A_365, %parallel_loop3A_365 : vector<16xf32>
      %parallel_loop3A_413 = arith.mulf %parallel_loop3A_378, %parallel_loop3A_378 : vector<16xf32>
      %parallel_loop3A_414 = arith.addf %parallel_loop3A_412, %parallel_loop3A_413 : vector<16xf32>
      %parallel_loop3A_415 = arith.mulf %parallel_loop3A_411, %parallel_loop3A_411 : vector<16xf32>
      %parallel_loop3A_416 = arith.addf %parallel_loop3A_414, %parallel_loop3A_415 : vector<16xf32>
      %parallel_loop3A_417 = arith.constant 1.000000e-01 : f32
      %parallel_loop3A_418 = vector.broadcast %parallel_loop3A_417 : f32 to vector<16xf32>
      %parallel_loop3A_419 = arith.mulf %parallel_loop3A_418, %parallel_loop3A_416 : vector<16xf32>
      %parallel_loop3A_420 = arith.index_cast %parallel_loop3A_77 : i32 to index
      %parallel_loop3A_421 = arith.index_cast %parallel_loop3A_61 : i32 to index
      %parallel_loop3A_422 = arith.constant 48 : index
      %parallel_loop3A_423 = tpu.vector_load %arg5[%parallel_loop3A_420, %parallel_loop3A_421, %parallel_loop3A_422] {strides = array<i32>} : memref<4x8x128xf32, #tpu.memory_space<vmem>>, vector<1x1x16xf32>,
      %parallel_loop3A_424 = vector.shape_cast %parallel_loop3A_423 : vector<1x1x16xf32> to vector<16xf32>
      %parallel_loop3A_425 = vector.shape_cast %parallel_loop3A_419 : vector<16xf32> to vector<1x1x16xf32>
      tpu.vector_store %arg5[%parallel_loop3A_420, %parallel_loop3A_421, %parallel_loop3A_422], %parallel_loop3A_425 {strides = array<i32>} : memref<4x8x128xf32, #tpu.memory_space<vmem>>, vector<1x1x16xf32>,
      %parallel_loop3A_426 = arith.constant 0 : i32
      %parallel_loop3A_427 = arith.index_cast %parallel_loop3A_61 : i32 to index
      %parallel_loop3A_428 = arith.index_cast %parallel_loop3A_77 : i32 to index
      %parallel_loop3A_429 = arith.index_cast %parallel_loop3A_426 : i32 to index
      %parallel_loop3A_430 = arith.constant 64 : index
      %parallel_loop3A_431 = tpu.vector_load %arg4[%parallel_loop3A_427, %parallel_loop3A_428, %parallel_loop3A_429, %parallel_loop3A_430] {strides = array<i32>} : memref<8x4x2x128xf32, #tpu.memory_space<vmem>>, vector<1x1x1x16xf32>,
      %parallel_loop3A_432 = vector.shape_cast %parallel_loop3A_431 : vector<1x1x1x16xf32> to vector<16xf32>
      %parallel_loop3A_433 = arith.constant 1 : i32
      %parallel_loop3A_434 = arith.index_cast %parallel_loop3A_61 : i32 to index
      %parallel_loop3A_435 = arith.index_cast %parallel_loop3A_77 : i32 to index
      %parallel_loop3A_436 = arith.index_cast %parallel_loop3A_433 : i32 to index
      %parallel_loop3A_437 = arith.constant 64 : index
      %parallel_loop3A_438 = tpu.vector_load %arg4[%parallel_loop3A_434, %parallel_loop3A_435, %parallel_loop3A_436, %parallel_loop3A_437] {strides = array<i32>} : memref<8x4x2x128xf32, #tpu.memory_space<vmem>>, vector<1x1x1x16xf32>,
      %parallel_loop3A_439 = vector.shape_cast %parallel_loop3A_438 : vector<1x1x1x16xf32> to vector<16xf32>
      %parallel_loop3A_440 = math.absf %parallel_loop3A_432 : vector<16xf32>
      %parallel_loop3A_441 = arith.constant 4.000000e+00 : f32
      %parallel_loop3A_442 = vector.broadcast %parallel_loop3A_441 : f32 to vector<16xf32>
      %parallel_loop3A_443 = arith.mulf %parallel_loop3A_440, %parallel_loop3A_442 : vector<16xf32>
      %parallel_loop3A_444 = arith.constant 3.000000e+00 : f32
      %parallel_loop3A_445 = vector.broadcast %parallel_loop3A_444 : f32 to vector<16xf32>
      %parallel_loop3A_446 = arith.subf %parallel_loop3A_443, %parallel_loop3A_445 : vector<16xf32>
      %parallel_loop3A_447 = arith.constant 0.000000e+00 : f32
      %parallel_loop3A_448 = vector.broadcast %parallel_loop3A_447 : f32 to vector<16xf32>
      %parallel_loop3A_449 = arith.maximumf %parallel_loop3A_446, %parallel_loop3A_448 : vector<16xf32>
      %parallel_loop3A_450 = arith.constant 3.000000e+01 : f32
      %parallel_loop3A_451 = vector.broadcast %parallel_loop3A_450 : f32 to vector<16xf32>
      %parallel_loop3A_452 = arith.minimumf %parallel_loop3A_449, %parallel_loop3A_451 : vector<16xf32>
      %parallel_loop3A_453 = math.absf %parallel_loop3A_439 : vector<16xf32>
      %parallel_loop3A_454 = arith.constant 4.000000e+00 : f32
      %parallel_loop3A_455 = vector.broadcast %parallel_loop3A_454 : f32 to vector<16xf32>
      %parallel_loop3A_456 = arith.mulf %parallel_loop3A_453, %parallel_loop3A_455 : vector<16xf32>
      %parallel_loop3A_457 = arith.constant 3.000000e+00 : f32
      %parallel_loop3A_458 = vector.broadcast %parallel_loop3A_457 : f32 to vector<16xf32>
      %parallel_loop3A_459 = arith.subf %parallel_loop3A_456, %parallel_loop3A_458 : vector<16xf32>
      %parallel_loop3A_460 = arith.constant 0.000000e+00 : f32
      %parallel_loop3A_461 = vector.broadcast %parallel_loop3A_460 : f32 to vector<16xf32>
      %parallel_loop3A_462 = arith.maximumf %parallel_loop3A_459, %parallel_loop3A_461 : vector<16xf32>
      %parallel_loop3A_463 = arith.constant 3.000000e+01 : f32
      %parallel_loop3A_464 = vector.broadcast %parallel_loop3A_463 : f32 to vector<16xf32>
      %parallel_loop3A_465 = arith.minimumf %parallel_loop3A_462, %parallel_loop3A_464 : vector<16xf32>
      %parallel_loop3A_466 = arith.mulf %parallel_loop3A_432, %parallel_loop3A_432 : vector<16xf32>
      %parallel_loop3A_467 = arith.mulf %parallel_loop3A_439, %parallel_loop3A_439 : vector<16xf32>
      %parallel_loop3A_468 = arith.addf %parallel_loop3A_466, %parallel_loop3A_467 : vector<16xf32>
      %parallel_loop3A_469 = tpu.bitcast %parallel_loop3A_468 : vector<16xf32> -> vector<16xi32>
      %parallel_loop3A_470 = arith.constant 1 : i32
      %parallel_loop3A_471 = vector.broadcast %parallel_loop3A_470 : i32 to vector<16xi32>
      %parallel_loop3A_472 = arith.shrsi %parallel_loop3A_469, %parallel_loop3A_471 : vector<16xi32>
      %parallel_loop3A_473 = arith.constant 1597463007 : i32
      %parallel_loop3A_474 = vector.broadcast %parallel_loop3A_473 : i32 to vector<16xi32>
      %parallel_loop3A_475 = arith.subi %parallel_loop3A_474, %parallel_loop3A_472 : vector<16xi32>
      %parallel_loop3A_476 = tpu.bitcast %parallel_loop3A_475 : vector<16xi32> -> vector<16xf32>
      %parallel_loop3A_477 = arith.constant 5.000000e-01 : f32
      %parallel_loop3A_478 = vector.broadcast %parallel_loop3A_477 : f32 to vector<16xf32>
      %parallel_loop3A_479 = arith.mulf %parallel_loop3A_478, %parallel_loop3A_468 : vector<16xf32>
      %parallel_loop3A_480 = arith.mulf %parallel_loop3A_479, %parallel_loop3A_476 : vector<16xf32>
      %parallel_loop3A_481 = arith.mulf %parallel_loop3A_480, %parallel_loop3A_476 : vector<16xf32>
      %parallel_loop3A_482 = arith.constant 1.500000e+00 : f32
      %parallel_loop3A_483 = vector.broadcast %parallel_loop3A_482 : f32 to vector<16xf32>
      %parallel_loop3A_484 = arith.subf %parallel_loop3A_483, %parallel_loop3A_481 : vector<16xf32>
      %parallel_loop3A_485 = arith.mulf %parallel_loop3A_476, %parallel_loop3A_484 : vector<16xf32>
      %parallel_loop3A_486 = arith.mulf %parallel_loop3A_468, %parallel_loop3A_485 : vector<16xf32>
      %parallel_loop3A_487 = arith.constant 8.000000e+00 : f32
      %parallel_loop3A_488 = vector.broadcast %parallel_loop3A_487 : f32 to vector<16xf32>
      %parallel_loop3A_489 = arith.mulf %parallel_loop3A_486, %parallel_loop3A_488 : vector<16xf32>
      %parallel_loop3A_490 = arith.constant 1.000000e+00 : f32
      %parallel_loop3A_491 = vector.broadcast %parallel_loop3A_490 : f32 to vector<16xf32>
      %parallel_loop3A_492 = arith.subf %parallel_loop3A_489, %parallel_loop3A_491 : vector<16xf32>
      %parallel_loop3A_493 = arith.constant 0.000000e+00 : f32
      %parallel_loop3A_494 = vector.broadcast %parallel_loop3A_493 : f32 to vector<16xf32>
      %parallel_loop3A_495 = arith.maximumf %parallel_loop3A_492, %parallel_loop3A_494 : vector<16xf32>
      %parallel_loop3A_496 = arith.constant 2.000000e+01 : f32
      %parallel_loop3A_497 = vector.broadcast %parallel_loop3A_496 : f32 to vector<16xf32>
      %parallel_loop3A_498 = arith.minimumf %parallel_loop3A_495, %parallel_loop3A_497 : vector<16xf32>
      %parallel_loop3A_499 = arith.mulf %parallel_loop3A_452, %parallel_loop3A_452 : vector<16xf32>
      %parallel_loop3A_500 = arith.mulf %parallel_loop3A_465, %parallel_loop3A_465 : vector<16xf32>
      %parallel_loop3A_501 = arith.addf %parallel_loop3A_499, %parallel_loop3A_500 : vector<16xf32>
      %parallel_loop3A_502 = arith.mulf %parallel_loop3A_498, %parallel_loop3A_498 : vector<16xf32>
      %parallel_loop3A_503 = arith.addf %parallel_loop3A_501, %parallel_loop3A_502 : vector<16xf32>
      %parallel_loop3A_504 = arith.constant 1.000000e-01 : f32
      %parallel_loop3A_505 = vector.broadcast %parallel_loop3A_504 : f32 to vector<16xf32>
      %parallel_loop3A_506 = arith.mulf %parallel_loop3A_505, %parallel_loop3A_503 : vector<16xf32>
      %parallel_loop3A_507 = arith.index_cast %parallel_loop3A_77 : i32 to index
      %parallel_loop3A_508 = arith.index_cast %parallel_loop3A_61 : i32 to index
      %parallel_loop3A_509 = arith.constant 64 : index
      %parallel_loop3A_510 = tpu.vector_load %arg5[%parallel_loop3A_507, %parallel_loop3A_508, %parallel_loop3A_509] {strides = array<i32>} : memref<4x8x128xf32, #tpu.memory_space<vmem>>, vector<1x1x16xf32>,
      %parallel_loop3A_511 = vector.shape_cast %parallel_loop3A_510 : vector<1x1x16xf32> to vector<16xf32>
      %parallel_loop3A_512 = vector.shape_cast %parallel_loop3A_506 : vector<16xf32> to vector<1x1x16xf32>
      tpu.vector_store %arg5[%parallel_loop3A_507, %parallel_loop3A_508, %parallel_loop3A_509], %parallel_loop3A_512 {strides = array<i32>} : memref<4x8x128xf32, #tpu.memory_space<vmem>>, vector<1x1x16xf32>,
      %parallel_loop3A_513 = arith.constant 0 : i32
      %parallel_loop3A_514 = arith.index_cast %parallel_loop3A_61 : i32 to index
      %parallel_loop3A_515 = arith.index_cast %parallel_loop3A_77 : i32 to index
      %parallel_loop3A_516 = arith.index_cast %parallel_loop3A_513 : i32 to index
      %parallel_loop3A_517 = arith.constant 80 : index
      %parallel_loop3A_518 = tpu.vector_load %arg4[%parallel_loop3A_514, %parallel_loop3A_515, %parallel_loop3A_516, %parallel_loop3A_517] {strides = array<i32>} : memref<8x4x2x128xf32, #tpu.memory_space<vmem>>, vector<1x1x1x16xf32>,
      %parallel_loop3A_519 = vector.shape_cast %parallel_loop3A_518 : vector<1x1x1x16xf32> to vector<16xf32>
      %parallel_loop3A_520 = arith.constant 1 : i32
      %parallel_loop3A_521 = arith.index_cast %parallel_loop3A_61 : i32 to index
      %parallel_loop3A_522 = arith.index_cast %parallel_loop3A_77 : i32 to index
      %parallel_loop3A_523 = arith.index_cast %parallel_loop3A_520 : i32 to index
      %parallel_loop3A_524 = arith.constant 80 : index
      %parallel_loop3A_525 = tpu.vector_load %arg4[%parallel_loop3A_521, %parallel_loop3A_522, %parallel_loop3A_523, %parallel_loop3A_524] {strides = array<i32>} : memref<8x4x2x128xf32, #tpu.memory_space<vmem>>, vector<1x1x1x16xf32>,
      %parallel_loop3A_526 = vector.shape_cast %parallel_loop3A_525 : vector<1x1x1x16xf32> to vector<16xf32>
      %parallel_loop3A_527 = math.absf %parallel_loop3A_519 : vector<16xf32>
      %parallel_loop3A_528 = arith.constant 4.000000e+00 : f32
      %parallel_loop3A_529 = vector.broadcast %parallel_loop3A_528 : f32 to vector<16xf32>
      %parallel_loop3A_530 = arith.mulf %parallel_loop3A_527, %parallel_loop3A_529 : vector<16xf32>
      %parallel_loop3A_531 = arith.constant 3.000000e+00 : f32
      %parallel_loop3A_532 = vector.broadcast %parallel_loop3A_531 : f32 to vector<16xf32>
      %parallel_loop3A_533 = arith.subf %parallel_loop3A_530, %parallel_loop3A_532 : vector<16xf32>
      %parallel_loop3A_534 = arith.constant 0.000000e+00 : f32
      %parallel_loop3A_535 = vector.broadcast %parallel_loop3A_534 : f32 to vector<16xf32>
      %parallel_loop3A_536 = arith.maximumf %parallel_loop3A_533, %parallel_loop3A_535 : vector<16xf32>
      %parallel_loop3A_537 = arith.constant 3.000000e+01 : f32
      %parallel_loop3A_538 = vector.broadcast %parallel_loop3A_537 : f32 to vector<16xf32>
      %parallel_loop3A_539 = arith.minimumf %parallel_loop3A_536, %parallel_loop3A_538 : vector<16xf32>
      %parallel_loop3A_540 = math.absf %parallel_loop3A_526 : vector<16xf32>
      %parallel_loop3A_541 = arith.constant 4.000000e+00 : f32
      %parallel_loop3A_542 = vector.broadcast %parallel_loop3A_541 : f32 to vector<16xf32>
      %parallel_loop3A_543 = arith.mulf %parallel_loop3A_540, %parallel_loop3A_542 : vector<16xf32>
      %parallel_loop3A_544 = arith.constant 3.000000e+00 : f32
      %parallel_loop3A_545 = vector.broadcast %parallel_loop3A_544 : f32 to vector<16xf32>
      %parallel_loop3A_546 = arith.subf %parallel_loop3A_543, %parallel_loop3A_545 : vector<16xf32>
      %parallel_loop3A_547 = arith.constant 0.000000e+00 : f32
      %parallel_loop3A_548 = vector.broadcast %parallel_loop3A_547 : f32 to vector<16xf32>
      %parallel_loop3A_549 = arith.maximumf %parallel_loop3A_546, %parallel_loop3A_548 : vector<16xf32>
      %parallel_loop3A_550 = arith.constant 3.000000e+01 : f32
      %parallel_loop3A_551 = vector.broadcast %parallel_loop3A_550 : f32 to vector<16xf32>
      %parallel_loop3A_552 = arith.minimumf %parallel_loop3A_549, %parallel_loop3A_551 : vector<16xf32>
      %parallel_loop3A_553 = arith.mulf %parallel_loop3A_519, %parallel_loop3A_519 : vector<16xf32>
      %parallel_loop3A_554 = arith.mulf %parallel_loop3A_526, %parallel_loop3A_526 : vector<16xf32>
      %parallel_loop3A_555 = arith.addf %parallel_loop3A_553, %parallel_loop3A_554 : vector<16xf32>
      %parallel_loop3A_556 = tpu.bitcast %parallel_loop3A_555 : vector<16xf32> -> vector<16xi32>
      %parallel_loop3A_557 = arith.constant 1 : i32
      %parallel_loop3A_558 = vector.broadcast %parallel_loop3A_557 : i32 to vector<16xi32>
      %parallel_loop3A_559 = arith.shrsi %parallel_loop3A_556, %parallel_loop3A_558 : vector<16xi32>
      %parallel_loop3A_560 = arith.constant 1597463007 : i32
      %parallel_loop3A_561 = vector.broadcast %parallel_loop3A_560 : i32 to vector<16xi32>
      %parallel_loop3A_562 = arith.subi %parallel_loop3A_561, %parallel_loop3A_559 : vector<16xi32>
      %parallel_loop3A_563 = tpu.bitcast %parallel_loop3A_562 : vector<16xi32> -> vector<16xf32>
      %parallel_loop3A_564 = arith.constant 5.000000e-01 : f32
      %parallel_loop3A_565 = vector.broadcast %parallel_loop3A_564 : f32 to vector<16xf32>
      %parallel_loop3A_566 = arith.mulf %parallel_loop3A_565, %parallel_loop3A_555 : vector<16xf32>
      %parallel_loop3A_567 = arith.mulf %parallel_loop3A_566, %parallel_loop3A_563 : vector<16xf32>
      %parallel_loop3A_568 = arith.mulf %parallel_loop3A_567, %parallel_loop3A_563 : vector<16xf32>
      %parallel_loop3A_569 = arith.constant 1.500000e+00 : f32
      %parallel_loop3A_570 = vector.broadcast %parallel_loop3A_569 : f32 to vector<16xf32>
      %parallel_loop3A_571 = arith.subf %parallel_loop3A_570, %parallel_loop3A_568 : vector<16xf32>
      %parallel_loop3A_572 = arith.mulf %parallel_loop3A_563, %parallel_loop3A_571 : vector<16xf32>
      %parallel_loop3A_573 = arith.mulf %parallel_loop3A_555, %parallel_loop3A_572 : vector<16xf32>
      %parallel_loop3A_574 = arith.constant 8.000000e+00 : f32
      %parallel_loop3A_575 = vector.broadcast %parallel_loop3A_574 : f32 to vector<16xf32>
      %parallel_loop3A_576 = arith.mulf %parallel_loop3A_573, %parallel_loop3A_575 : vector<16xf32>
      %parallel_loop3A_577 = arith.constant 1.000000e+00 : f32
      %parallel_loop3A_578 = vector.broadcast %parallel_loop3A_577 : f32 to vector<16xf32>
      %parallel_loop3A_579 = arith.subf %parallel_loop3A_576, %parallel_loop3A_578 : vector<16xf32>
      %parallel_loop3A_580 = arith.constant 0.000000e+00 : f32
      %parallel_loop3A_581 = vector.broadcast %parallel_loop3A_580 : f32 to vector<16xf32>
      %parallel_loop3A_582 = arith.maximumf %parallel_loop3A_579, %parallel_loop3A_581 : vector<16xf32>
      %parallel_loop3A_583 = arith.constant 2.000000e+01 : f32
      %parallel_loop3A_584 = vector.broadcast %parallel_loop3A_583 : f32 to vector<16xf32>
      %parallel_loop3A_585 = arith.minimumf %parallel_loop3A_582, %parallel_loop3A_584 : vector<16xf32>
      %parallel_loop3A_586 = arith.mulf %parallel_loop3A_539, %parallel_loop3A_539 : vector<16xf32>
      %parallel_loop3A_587 = arith.mulf %parallel_loop3A_552, %parallel_loop3A_552 : vector<16xf32>
      %parallel_loop3A_588 = arith.addf %parallel_loop3A_586, %parallel_loop3A_587 : vector<16xf32>
      %parallel_loop3A_589 = arith.mulf %parallel_loop3A_585, %parallel_loop3A_585 : vector<16xf32>
      %parallel_loop3A_590 = arith.addf %parallel_loop3A_588, %parallel_loop3A_589 : vector<16xf32>
      %parallel_loop3A_591 = arith.constant 1.000000e-01 : f32
      %parallel_loop3A_592 = vector.broadcast %parallel_loop3A_591 : f32 to vector<16xf32>
      %parallel_loop3A_593 = arith.mulf %parallel_loop3A_592, %parallel_loop3A_590 : vector<16xf32>
      %parallel_loop3A_594 = arith.index_cast %parallel_loop3A_77 : i32 to index
      %parallel_loop3A_595 = arith.index_cast %parallel_loop3A_61 : i32 to index
      %parallel_loop3A_596 = arith.constant 80 : index
      %parallel_loop3A_597 = tpu.vector_load %arg5[%parallel_loop3A_594, %parallel_loop3A_595, %parallel_loop3A_596] {strides = array<i32>} : memref<4x8x128xf32, #tpu.memory_space<vmem>>, vector<1x1x16xf32>,
      %parallel_loop3A_598 = vector.shape_cast %parallel_loop3A_597 : vector<1x1x16xf32> to vector<16xf32>
      %parallel_loop3A_599 = vector.shape_cast %parallel_loop3A_593 : vector<16xf32> to vector<1x1x16xf32>
      tpu.vector_store %arg5[%parallel_loop3A_594, %parallel_loop3A_595, %parallel_loop3A_596], %parallel_loop3A_599 {strides = array<i32>} : memref<4x8x128xf32, #tpu.memory_space<vmem>>, vector<1x1x16xf32>,
      %parallel_loop3A_600 = arith.constant 0 : i32
      %parallel_loop3A_601 = arith.index_cast %parallel_loop3A_61 : i32 to index
      %parallel_loop3A_602 = arith.index_cast %parallel_loop3A_77 : i32 to index
      %parallel_loop3A_603 = arith.index_cast %parallel_loop3A_600 : i32 to index
      %parallel_loop3A_604 = arith.constant 96 : index
      %parallel_loop3A_605 = tpu.vector_load %arg4[%parallel_loop3A_601, %parallel_loop3A_602, %parallel_loop3A_603, %parallel_loop3A_604] {strides = array<i32>} : memref<8x4x2x128xf32, #tpu.memory_space<vmem>>, vector<1x1x1x16xf32>,
      %parallel_loop3A_606 = vector.shape_cast %parallel_loop3A_605 : vector<1x1x1x16xf32> to vector<16xf32>
      %parallel_loop3A_607 = arith.constant 1 : i32
      %parallel_loop3A_608 = arith.index_cast %parallel_loop3A_61 : i32 to index
      %parallel_loop3A_609 = arith.index_cast %parallel_loop3A_77 : i32 to index
      %parallel_loop3A_610 = arith.index_cast %parallel_loop3A_607 : i32 to index
      %parallel_loop3A_611 = arith.constant 96 : index
      %parallel_loop3A_612 = tpu.vector_load %arg4[%parallel_loop3A_608, %parallel_loop3A_609, %parallel_loop3A_610, %parallel_loop3A_611] {strides = array<i32>} : memref<8x4x2x128xf32, #tpu.memory_space<vmem>>, vector<1x1x1x16xf32>,
      %parallel_loop3A_613 = vector.shape_cast %parallel_loop3A_612 : vector<1x1x1x16xf32> to vector<16xf32>
      %parallel_loop3A_614 = math.absf %parallel_loop3A_606 : vector<16xf32>
      %parallel_loop3A_615 = arith.constant 4.000000e+00 : f32
      %parallel_loop3A_616 = vector.broadcast %parallel_loop3A_615 : f32 to vector<16xf32>
      %parallel_loop3A_617 = arith.mulf %parallel_loop3A_614, %parallel_loop3A_616 : vector<16xf32>
      %parallel_loop3A_618 = arith.constant 3.000000e+00 : f32
      %parallel_loop3A_619 = vector.broadcast %parallel_loop3A_618 : f32 to vector<16xf32>
      %parallel_loop3A_620 = arith.subf %parallel_loop3A_617, %parallel_loop3A_619 : vector<16xf32>
      %parallel_loop3A_621 = arith.constant 0.000000e+00 : f32
      %parallel_loop3A_622 = vector.broadcast %parallel_loop3A_621 : f32 to vector<16xf32>
      %parallel_loop3A_623 = arith.maximumf %parallel_loop3A_620, %parallel_loop3A_622 : vector<16xf32>
      %parallel_loop3A_624 = arith.constant 3.000000e+01 : f32
      %parallel_loop3A_625 = vector.broadcast %parallel_loop3A_624 : f32 to vector<16xf32>
      %parallel_loop3A_626 = arith.minimumf %parallel_loop3A_623, %parallel_loop3A_625 : vector<16xf32>
      %parallel_loop3A_627 = math.absf %parallel_loop3A_613 : vector<16xf32>
      %parallel_loop3A_628 = arith.constant 4.000000e+00 : f32
      %parallel_loop3A_629 = vector.broadcast %parallel_loop3A_628 : f32 to vector<16xf32>
      %parallel_loop3A_630 = arith.mulf %parallel_loop3A_627, %parallel_loop3A_629 : vector<16xf32>
      %parallel_loop3A_631 = arith.constant 3.000000e+00 : f32
      %parallel_loop3A_632 = vector.broadcast %parallel_loop3A_631 : f32 to vector<16xf32>
      %parallel_loop3A_633 = arith.subf %parallel_loop3A_630, %parallel_loop3A_632 : vector<16xf32>
      %parallel_loop3A_634 = arith.constant 0.000000e+00 : f32
      %parallel_loop3A_635 = vector.broadcast %parallel_loop3A_634 : f32 to vector<16xf32>
      %parallel_loop3A_636 = arith.maximumf %parallel_loop3A_633, %parallel_loop3A_635 : vector<16xf32>
      %parallel_loop3A_637 = arith.constant 3.000000e+01 : f32
      %parallel_loop3A_638 = vector.broadcast %parallel_loop3A_637 : f32 to vector<16xf32>
      %parallel_loop3A_639 = arith.minimumf %parallel_loop3A_636, %parallel_loop3A_638 : vector<16xf32>
      %parallel_loop3A_640 = arith.mulf %parallel_loop3A_606, %parallel_loop3A_606 : vector<16xf32>
      %parallel_loop3A_641 = arith.mulf %parallel_loop3A_613, %parallel_loop3A_613 : vector<16xf32>
      %parallel_loop3A_642 = arith.addf %parallel_loop3A_640, %parallel_loop3A_641 : vector<16xf32>
      %parallel_loop3A_643 = tpu.bitcast %parallel_loop3A_642 : vector<16xf32> -> vector<16xi32>
      %parallel_loop3A_644 = arith.constant 1 : i32
      %parallel_loop3A_645 = vector.broadcast %parallel_loop3A_644 : i32 to vector<16xi32>
      %parallel_loop3A_646 = arith.shrsi %parallel_loop3A_643, %parallel_loop3A_645 : vector<16xi32>
      %parallel_loop3A_647 = arith.constant 1597463007 : i32
      %parallel_loop3A_648 = vector.broadcast %parallel_loop3A_647 : i32 to vector<16xi32>
      %parallel_loop3A_649 = arith.subi %parallel_loop3A_648, %parallel_loop3A_646 : vector<16xi32>
      %parallel_loop3A_650 = tpu.bitcast %parallel_loop3A_649 : vector<16xi32> -> vector<16xf32>
      %parallel_loop3A_651 = arith.constant 5.000000e-01 : f32
      %parallel_loop3A_652 = vector.broadcast %parallel_loop3A_651 : f32 to vector<16xf32>
      %parallel_loop3A_653 = arith.mulf %parallel_loop3A_652, %parallel_loop3A_642 : vector<16xf32>
      %parallel_loop3A_654 = arith.mulf %parallel_loop3A_653, %parallel_loop3A_650 : vector<16xf32>
      %parallel_loop3A_655 = arith.mulf %parallel_loop3A_654, %parallel_loop3A_650 : vector<16xf32>
      %parallel_loop3A_656 = arith.constant 1.500000e+00 : f32
      %parallel_loop3A_657 = vector.broadcast %parallel_loop3A_656 : f32 to vector<16xf32>
      %parallel_loop3A_658 = arith.subf %parallel_loop3A_657, %parallel_loop3A_655 : vector<16xf32>
      %parallel_loop3A_659 = arith.mulf %parallel_loop3A_650, %parallel_loop3A_658 : vector<16xf32>
      %parallel_loop3A_660 = arith.mulf %parallel_loop3A_642, %parallel_loop3A_659 : vector<16xf32>
      %parallel_loop3A_661 = arith.constant 8.000000e+00 : f32
      %parallel_loop3A_662 = vector.broadcast %parallel_loop3A_661 : f32 to vector<16xf32>
      %parallel_loop3A_663 = arith.mulf %parallel_loop3A_660, %parallel_loop3A_662 : vector<16xf32>
      %parallel_loop3A_664 = arith.constant 1.000000e+00 : f32
      %parallel_loop3A_665 = vector.broadcast %parallel_loop3A_664 : f32 to vector<16xf32>
      %parallel_loop3A_666 = arith.subf %parallel_loop3A_663, %parallel_loop3A_665 : vector<16xf32>
      %parallel_loop3A_667 = arith.constant 0.000000e+00 : f32
      %parallel_loop3A_668 = vector.broadcast %parallel_loop3A_667 : f32 to vector<16xf32>
      %parallel_loop3A_669 = arith.maximumf %parallel_loop3A_666, %parallel_loop3A_668 : vector<16xf32>
      %parallel_loop3A_670 = arith.constant 2.000000e+01 : f32
      %parallel_loop3A_671 = vector.broadcast %parallel_loop3A_670 : f32 to vector<16xf32>
      %parallel_loop3A_672 = arith.minimumf %parallel_loop3A_669, %parallel_loop3A_671 : vector<16xf32>
      %parallel_loop3A_673 = arith.mulf %parallel_loop3A_626, %parallel_loop3A_626 : vector<16xf32>
      %parallel_loop3A_674 = arith.mulf %parallel_loop3A_639, %parallel_loop3A_639 : vector<16xf32>
      %parallel_loop3A_675 = arith.addf %parallel_loop3A_673, %parallel_loop3A_674 : vector<16xf32>
      %parallel_loop3A_676 = arith.mulf %parallel_loop3A_672, %parallel_loop3A_672 : vector<16xf32>
      %parallel_loop3A_677 = arith.addf %parallel_loop3A_675, %parallel_loop3A_676 : vector<16xf32>
      %parallel_loop3A_678 = arith.constant 1.000000e-01 : f32
      %parallel_loop3A_679 = vector.broadcast %parallel_loop3A_678 : f32 to vector<16xf32>
      %parallel_loop3A_680 = arith.mulf %parallel_loop3A_679, %parallel_loop3A_677 : vector<16xf32>
      %parallel_loop3A_681 = arith.index_cast %parallel_loop3A_77 : i32 to index
      %parallel_loop3A_682 = arith.index_cast %parallel_loop3A_61 : i32 to index
      %parallel_loop3A_683 = arith.constant 96 : index
      %parallel_loop3A_684 = tpu.vector_load %arg5[%parallel_loop3A_681, %parallel_loop3A_682, %parallel_loop3A_683] {strides = array<i32>} : memref<4x8x128xf32, #tpu.memory_space<vmem>>, vector<1x1x16xf32>,
      %parallel_loop3A_685 = vector.shape_cast %parallel_loop3A_684 : vector<1x1x16xf32> to vector<16xf32>
      %parallel_loop3A_686 = vector.shape_cast %parallel_loop3A_680 : vector<16xf32> to vector<1x1x16xf32>
      tpu.vector_store %arg5[%parallel_loop3A_681, %parallel_loop3A_682, %parallel_loop3A_683], %parallel_loop3A_686 {strides = array<i32>} : memref<4x8x128xf32, #tpu.memory_space<vmem>>, vector<1x1x16xf32>,
      %parallel_loop3A_687 = arith.constant 0 : i32
      %parallel_loop3A_688 = arith.index_cast %parallel_loop3A_61 : i32 to index
      %parallel_loop3A_689 = arith.index_cast %parallel_loop3A_77 : i32 to index
      %parallel_loop3A_690 = arith.index_cast %parallel_loop3A_687 : i32 to index
      %parallel_loop3A_691 = arith.constant 112 : index
      %parallel_loop3A_692 = tpu.vector_load %arg4[%parallel_loop3A_688, %parallel_loop3A_689, %parallel_loop3A_690, %parallel_loop3A_691] {strides = array<i32>} : memref<8x4x2x128xf32, #tpu.memory_space<vmem>>, vector<1x1x1x16xf32>,
      %parallel_loop3A_693 = vector.shape_cast %parallel_loop3A_692 : vector<1x1x1x16xf32> to vector<16xf32>
      %parallel_loop3A_694 = arith.constant 1 : i32
      %parallel_loop3A_695 = arith.index_cast %parallel_loop3A_61 : i32 to index
      %parallel_loop3A_696 = arith.index_cast %parallel_loop3A_77 : i32 to index
      %parallel_loop3A_697 = arith.index_cast %parallel_loop3A_694 : i32 to index
      %parallel_loop3A_698 = arith.constant 112 : index
      %parallel_loop3A_699 = tpu.vector_load %arg4[%parallel_loop3A_695, %parallel_loop3A_696, %parallel_loop3A_697, %parallel_loop3A_698] {strides = array<i32>} : memref<8x4x2x128xf32, #tpu.memory_space<vmem>>, vector<1x1x1x16xf32>,
      %parallel_loop3A_700 = vector.shape_cast %parallel_loop3A_699 : vector<1x1x1x16xf32> to vector<16xf32>
      %parallel_loop3A_701 = math.absf %parallel_loop3A_693 : vector<16xf32>
      %parallel_loop3A_702 = arith.constant 4.000000e+00 : f32
      %parallel_loop3A_703 = vector.broadcast %parallel_loop3A_702 : f32 to vector<16xf32>
      %parallel_loop3A_704 = arith.mulf %parallel_loop3A_701, %parallel_loop3A_703 : vector<16xf32>
      %parallel_loop3A_705 = arith.constant 3.000000e+00 : f32
      %parallel_loop3A_706 = vector.broadcast %parallel_loop3A_705 : f32 to vector<16xf32>
      %parallel_loop3A_707 = arith.subf %parallel_loop3A_704, %parallel_loop3A_706 : vector<16xf32>
      %parallel_loop3A_708 = arith.constant 0.000000e+00 : f32
      %parallel_loop3A_709 = vector.broadcast %parallel_loop3A_708 : f32 to vector<16xf32>
      %parallel_loop3A_710 = arith.maximumf %parallel_loop3A_707, %parallel_loop3A_709 : vector<16xf32>
      %parallel_loop3A_711 = arith.constant 3.000000e+01 : f32
      %parallel_loop3A_712 = vector.broadcast %parallel_loop3A_711 : f32 to vector<16xf32>
      %parallel_loop3A_713 = arith.minimumf %parallel_loop3A_710, %parallel_loop3A_712 : vector<16xf32>
      %parallel_loop3A_714 = math.absf %parallel_loop3A_700 : vector<16xf32>
      %parallel_loop3A_715 = arith.constant 4.000000e+00 : f32
      %parallel_loop3A_716 = vector.broadcast %parallel_loop3A_715 : f32 to vector<16xf32>
      %parallel_loop3A_717 = arith.mulf %parallel_loop3A_714, %parallel_loop3A_716 : vector<16xf32>
      %parallel_loop3A_718 = arith.constant 3.000000e+00 : f32
      %parallel_loop3A_719 = vector.broadcast %parallel_loop3A_718 : f32 to vector<16xf32>
      %parallel_loop3A_720 = arith.subf %parallel_loop3A_717, %parallel_loop3A_719 : vector<16xf32>
      %parallel_loop3A_721 = arith.constant 0.000000e+00 : f32
      %parallel_loop3A_722 = vector.broadcast %parallel_loop3A_721 : f32 to vector<16xf32>
      %parallel_loop3A_723 = arith.maximumf %parallel_loop3A_720, %parallel_loop3A_722 : vector<16xf32>
      %parallel_loop3A_724 = arith.constant 3.000000e+01 : f32
      %parallel_loop3A_725 = vector.broadcast %parallel_loop3A_724 : f32 to vector<16xf32>
      %parallel_loop3A_726 = arith.minimumf %parallel_loop3A_723, %parallel_loop3A_725 : vector<16xf32>
      %parallel_loop3A_727 = arith.mulf %parallel_loop3A_693, %parallel_loop3A_693 : vector<16xf32>
      %parallel_loop3A_728 = arith.mulf %parallel_loop3A_700, %parallel_loop3A_700 : vector<16xf32>
      %parallel_loop3A_729 = arith.addf %parallel_loop3A_727, %parallel_loop3A_728 : vector<16xf32>
      %parallel_loop3A_730 = tpu.bitcast %parallel_loop3A_729 : vector<16xf32> -> vector<16xi32>
      %parallel_loop3A_731 = arith.constant 1 : i32
      %parallel_loop3A_732 = vector.broadcast %parallel_loop3A_731 : i32 to vector<16xi32>
      %parallel_loop3A_733 = arith.shrsi %parallel_loop3A_730, %parallel_loop3A_732 : vector<16xi32>
      %parallel_loop3A_734 = arith.constant 1597463007 : i32
      %parallel_loop3A_735 = vector.broadcast %parallel_loop3A_734 : i32 to vector<16xi32>
      %parallel_loop3A_736 = arith.subi %parallel_loop3A_735, %parallel_loop3A_733 : vector<16xi32>
      %parallel_loop3A_737 = tpu.bitcast %parallel_loop3A_736 : vector<16xi32> -> vector<16xf32>
      %parallel_loop3A_738 = arith.constant 5.000000e-01 : f32
      %parallel_loop3A_739 = vector.broadcast %parallel_loop3A_738 : f32 to vector<16xf32>
      %parallel_loop3A_740 = arith.mulf %parallel_loop3A_739, %parallel_loop3A_729 : vector<16xf32>
      %parallel_loop3A_741 = arith.mulf %parallel_loop3A_740, %parallel_loop3A_737 : vector<16xf32>
      %parallel_loop3A_742 = arith.mulf %parallel_loop3A_741, %parallel_loop3A_737 : vector<16xf32>
      %parallel_loop3A_743 = arith.constant 1.500000e+00 : f32
      %parallel_loop3A_744 = vector.broadcast %parallel_loop3A_743 : f32 to vector<16xf32>
      %parallel_loop3A_745 = arith.subf %parallel_loop3A_744, %parallel_loop3A_742 : vector<16xf32>
      %parallel_loop3A_746 = arith.mulf %parallel_loop3A_737, %parallel_loop3A_745 : vector<16xf32>
      %parallel_loop3A_747 = arith.mulf %parallel_loop3A_729, %parallel_loop3A_746 : vector<16xf32>
      %parallel_loop3A_748 = arith.constant 8.000000e+00 : f32
      %parallel_loop3A_749 = vector.broadcast %parallel_loop3A_748 : f32 to vector<16xf32>
      %parallel_loop3A_750 = arith.mulf %parallel_loop3A_747, %parallel_loop3A_749 : vector<16xf32>
      %parallel_loop3A_751 = arith.constant 1.000000e+00 : f32
      %parallel_loop3A_752 = vector.broadcast %parallel_loop3A_751 : f32 to vector<16xf32>
      %parallel_loop3A_753 = arith.subf %parallel_loop3A_750, %parallel_loop3A_752 : vector<16xf32>
      %parallel_loop3A_754 = arith.constant 0.000000e+00 : f32
      %parallel_loop3A_755 = vector.broadcast %parallel_loop3A_754 : f32 to vector<16xf32>
      %parallel_loop3A_756 = arith.maximumf %parallel_loop3A_753, %parallel_loop3A_755 : vector<16xf32>
      %parallel_loop3A_757 = arith.constant 2.000000e+01 : f32
      %parallel_loop3A_758 = vector.broadcast %parallel_loop3A_757 : f32 to vector<16xf32>
      %parallel_loop3A_759 = arith.minimumf %parallel_loop3A_756, %parallel_loop3A_758 : vector<16xf32>
      %parallel_loop3A_760 = arith.mulf %parallel_loop3A_713, %parallel_loop3A_713 : vector<16xf32>
      %parallel_loop3A_761 = arith.mulf %parallel_loop3A_726, %parallel_loop3A_726 : vector<16xf32>
      %parallel_loop3A_762 = arith.addf %parallel_loop3A_760, %parallel_loop3A_761 : vector<16xf32>
      %parallel_loop3A_763 = arith.mulf %parallel_loop3A_759, %parallel_loop3A_759 : vector<16xf32>
      %parallel_loop3A_764 = arith.addf %parallel_loop3A_762, %parallel_loop3A_763 : vector<16xf32>
      %parallel_loop3A_765 = arith.constant 1.000000e-01 : f32
      %parallel_loop3A_766 = vector.broadcast %parallel_loop3A_765 : f32 to vector<16xf32>
      %parallel_loop3A_767 = arith.mulf %parallel_loop3A_766, %parallel_loop3A_764 : vector<16xf32>
      %parallel_loop3A_768 = arith.index_cast %parallel_loop3A_77 : i32 to index
      %parallel_loop3A_769 = arith.index_cast %parallel_loop3A_61 : i32 to index
      %parallel_loop3A_770 = arith.constant 112 : index
      %parallel_loop3A_771 = tpu.vector_load %arg5[%parallel_loop3A_768, %parallel_loop3A_769, %parallel_loop3A_770] {strides = array<i32>} : memref<4x8x128xf32, #tpu.memory_space<vmem>>, vector<1x1x16xf32>,
      %parallel_loop3A_772 = vector.shape_cast %parallel_loop3A_771 : vector<1x1x16xf32> to vector<16xf32>
      %parallel_loop3A_773 = vector.shape_cast %parallel_loop3A_767 : vector<16xf32> to vector<1x1x16xf32>
      tpu.vector_store %arg5[%parallel_loop3A_768, %parallel_loop3A_769, %parallel_loop3A_770], %parallel_loop3A_773 {strides = array<i32>} : memref<4x8x128xf32, #tpu.memory_space<vmem>>, vector<1x1x16xf32>,
    } {sc.loop_unroll_factor = 4 : i64, sc.parallel_access}
    %dma_start3A_19 = arith.constant 0 : i32
    %dma_start3A_20 = arith.constant 0 : i32
    %dma_start3A_21 = arith.constant 0 : i32
    %dma_start3A_22 = tpu.memref_slice %arg3[%dma_start3A_19, %mul3A_2, %dma_start3A_20, %dma_start3A_21] : memref<1x128x8x128xf32, #tpu.memory_space<hbm>> -> memref<1x4x8x128xf32, #tpu.memory_space<hbm>>
    %dma_start3A_23 = tpu.memref_squeeze %dma_start3A_22 : memref<1x4x8x128xf32, #tpu.memory_space<hbm>> -> memref<4x8x128xf32, #tpu.memory_space<hbm>>
    %dma_start3A_24 = arith.constant 0 : i32
    %dma_start3A_25 = arith.constant 0 : i32
    %dma_start3A_26 = tpu.memref_slice %arg3[%dma_start3A_19, %mul3A_2, %dma_start3A_24, %dma_start3A_25] : memref<1x128x8x128xf32, #tpu.memory_space<hbm>> -> memref<1x4x8x128xf32, #tpu.memory_space<hbm>>
    %dma_start3A_27 = tpu.memref_squeeze %dma_start3A_26 : memref<1x4x8x128xf32, #tpu.memory_space<hbm>> -> memref<4x8x128xf32, #tpu.memory_space<hbm>>
    tpu.enqueue_dma source(%arg5 : memref<4x8x128xf32, #tpu.memory_space<vmem>>) target(%dma_start3A_27 : memref<4x8x128xf32, #tpu.memory_space<hbm>>) target_semaphore(%arg6 : memref<!tpu.dma_semaphore, #tpu.memory_space<semaphore_mem>>)
    %dma_wait3A_28 = arith.constant 0 : i32
    %dma_wait3A_29 = arith.constant 0 : i32
    %dma_wait3A_30 = arith.constant 0 : i32
    %dma_wait3A_31 = tpu.memref_slice %arg3[%dma_wait3A_28, %mul3A_2, %dma_wait3A_29, %dma_wait3A_30] : memref<1x128x8x128xf32, #tpu.memory_space<hbm>> -> memref<1x4x8x128xf32, #tpu.memory_space<hbm>>
    %dma_wait3A_32 = tpu.memref_squeeze %dma_wait3A_31 : memref<1x4x8x128xf32, #tpu.memory_space<hbm>> -> memref<4x8x128xf32, #tpu.memory_space<hbm>>
    %dma_wait3A_33 = arith.constant 0 : i32
    %dma_wait3A_34 = arith.constant 0 : i32
    %dma_wait3A_35 = tpu.memref_slice %arg3[%dma_wait3A_28, %mul3A_2, %dma_wait3A_33, %dma_wait3A_34] : memref<1x128x8x128xf32, #tpu.memory_space<hbm>> -> memref<1x4x8x128xf32, #tpu.memory_space<hbm>>
    %dma_wait3A_36 = tpu.memref_squeeze %dma_wait3A_35 : memref<1x4x8x128xf32, #tpu.memory_space<hbm>> -> memref<4x8x128xf32, #tpu.memory_space<hbm>>
    tpu.wait_dma2 semaphore(%arg6 : memref<!tpu.dma_semaphore, #tpu.memory_space<semaphore_mem>>) src(%arg5 : memref<4x8x128xf32, #tpu.memory_space<vmem>>) dst(%dma_wait3A_36 : memref<4x8x128xf32, #tpu.memory_space<hbm>>)
    return
  }
}

module attributes {stable_mosaic.version = 14 : i64} {
  func.func @_tc_body(%arg0: i32, %arg1: memref<56x2x8192xf32, #tpu.memory_space<vmem>>, %arg2: memref<56x8192xf32, #tpu.memory_space<vmem>>) attributes {dimension_semantics = [#tpu.dimension_semantics<arbitrary>], iteration_bounds = array<i64: 2>, scalar_prefetch = 0 : i64, scratch_operands = 0 : i64, tpu.core_type = #tpu.core_type<tc>, window_params = [{transform_indices = @transform_0, window_bounds = array<i64: 56, 2, 8192>}, {transform_indices = @transform_1, window_bounds = array<i64: 56, 8192>}]} {
    %get3A = arith.constant 0 : index
    %get3A_0 = arith.constant 0 : index
    %get3A_1 = arith.constant 0 : index
    %get3A_2 = vector.load %arg1[%get3A, %get3A_0, %get3A_1] : memref<56x2x8192xf32, #tpu.memory_space<vmem>>, vector<56x1x8192xf32>
    %get3A_3 = vector.shape_cast %get3A_2 : vector<56x1x8192xf32> to vector<56x8192xf32>
    %get3A_4 = arith.constant 0 : index
    %get3A_5 = arith.constant 1 : index
    %get3A_6 = arith.constant 0 : index
    %get3A_7 = vector.load %arg1[%get3A_4, %get3A_5, %get3A_6] : memref<56x2x8192xf32, #tpu.memory_space<vmem>>, vector<56x1x8192xf32>
    %get3A_8 = vector.shape_cast %get3A_7 : vector<56x1x8192xf32> to vector<56x8192xf32>
    %mul3A = arith.constant 4.000000e+00 : f32
    %mul3A_9 = vector.broadcast %mul3A : f32 to vector<56x8192xf32>
    %mul3A_10 = arith.mulf %mul3A_9, %get3A_3 : vector<56x8192xf32>
    %abs3A = math.absf %mul3A_10 : vector<56x8192xf32>
    %sub3A = arith.constant 3.000000e+00 : f32
    %sub3A_11 = vector.broadcast %sub3A : f32 to vector<56x8192xf32>
    %sub3A_12 = arith.subf %abs3A, %sub3A_11 : vector<56x8192xf32>
    %jit3A = arith.constant 0.000000e+00 : f32
    %jit3A_13 = arith.constant 3.000000e+01 : f32
    %max3A = vector.broadcast %jit3A : f32 to vector<56x8192xf32>
    %max3A_14 = arith.maximumf %max3A, %sub3A_12 : vector<56x8192xf32>
    %min3A = vector.broadcast %jit3A_13 : f32 to vector<56x8192xf32>
    %min3A_15 = arith.minimumf %min3A, %max3A_14 : vector<56x8192xf32>
    %mul3A_16 = arith.constant 4.000000e+00 : f32
    %mul3A_17 = vector.broadcast %mul3A_16 : f32 to vector<56x8192xf32>
    %mul3A_18 = arith.mulf %mul3A_17, %get3A_8 : vector<56x8192xf32>
    %abs3A_19 = math.absf %mul3A_18 : vector<56x8192xf32>
    %sub3A_20 = arith.constant 3.000000e+00 : f32
    %sub3A_21 = vector.broadcast %sub3A_20 : f32 to vector<56x8192xf32>
    %sub3A_22 = arith.subf %abs3A_19, %sub3A_21 : vector<56x8192xf32>
    %jit3A_23 = arith.constant 0.000000e+00 : f32
    %jit3A_24 = arith.constant 3.000000e+01 : f32
    %max3A_25 = vector.broadcast %jit3A_23 : f32 to vector<56x8192xf32>
    %max3A_26 = arith.maximumf %max3A_25, %sub3A_22 : vector<56x8192xf32>
    %min3A_27 = vector.broadcast %jit3A_24 : f32 to vector<56x8192xf32>
    %min3A_28 = arith.minimumf %min3A_27, %max3A_26 : vector<56x8192xf32>
    %mul3A_29 = arith.mulf %get3A_3, %get3A_3 : vector<56x8192xf32>
    %mul3A_30 = arith.mulf %get3A_8, %get3A_8 : vector<56x8192xf32>
    %add3A = arith.addf %mul3A_29, %mul3A_30 : vector<56x8192xf32>
    %sqrt3A = math.sqrt %add3A : vector<56x8192xf32>
    %mul3A_31 = arith.constant 8.000000e+00 : f32
    %mul3A_32 = vector.broadcast %mul3A_31 : f32 to vector<56x8192xf32>
    %mul3A_33 = arith.mulf %mul3A_32, %sqrt3A : vector<56x8192xf32>
    %sub3A_34 = arith.constant 1.000000e+00 : f32
    %sub3A_35 = vector.broadcast %sub3A_34 : f32 to vector<56x8192xf32>
    %sub3A_36 = arith.subf %mul3A_33, %sub3A_35 : vector<56x8192xf32>
    %jit3A_37 = arith.constant 0.000000e+00 : f32
    %jit3A_38 = arith.constant 2.000000e+01 : f32
    %max3A_39 = vector.broadcast %jit3A_37 : f32 to vector<56x8192xf32>
    %max3A_40 = arith.maximumf %max3A_39, %sub3A_36 : vector<56x8192xf32>
    %min3A_41 = vector.broadcast %jit3A_38 : f32 to vector<56x8192xf32>
    %min3A_42 = arith.minimumf %min3A_41, %max3A_40 : vector<56x8192xf32>
    %mul3A_43 = arith.mulf %min3A_15, %min3A_15 : vector<56x8192xf32>
    %mul3A_44 = arith.mulf %min3A_28, %min3A_28 : vector<56x8192xf32>
    %add3A_45 = arith.addf %mul3A_43, %mul3A_44 : vector<56x8192xf32>
    %mul3A_46 = arith.mulf %min3A_42, %min3A_42 : vector<56x8192xf32>
    %add3A_47 = arith.addf %add3A_45, %mul3A_46 : vector<56x8192xf32>
    %mul3A_48 = arith.constant 1.000000e-01 : f32
    %mul3A_49 = vector.broadcast %mul3A_48 : f32 to vector<56x8192xf32>
    %mul3A_50 = arith.mulf %mul3A_49, %add3A_47 : vector<56x8192xf32>
    %swap3A = arith.constant 0 : index
    %swap3A_51 = arith.constant 0 : index
    %swap3A_52 = vector.load %arg2[%swap3A, %swap3A_51] : memref<56x8192xf32, #tpu.memory_space<vmem>>, vector<56x8192xf32>
    tpu.vector_store %arg2[%swap3A, %swap3A_51], %mul3A_50 {strides = array<i32>} : memref<56x8192xf32, #tpu.memory_space<vmem>>, vector<56x8192xf32>,
    return
  }
  func.func @transform_0(%arg0: i32) -> (i32, i32, i32) {
    %c0_i32 = arith.constant 0 : i32
    %c0_i32_0 = arith.constant 0 : i32
    %c0_i32_1 = arith.constant 0 : i32
    return %c0_i32, %c0_i32_0, %arg0 : i32, i32, i32
  }
  func.func @transform_1(%arg0: i32) -> (i32, i32) {
    %c0_i32 = arith.constant 0 : i32
    %c0_i32_0 = arith.constant 0 : i32
    return %c0_i32, %arg0 : i32, i32
  }
}

</mosaic_0001>

<sc_bundles>
// kernel: kernel.4.cloned.1.call-start
scs
__scs_entry_jumppad:
0x0: {  	(pc) =	sbr.rel $0x88, $3  }
0x1: {  	(tag) =	ssettag $0x0;
	lr =	simm.s32 $0x1  }
0x2: {  	[smem:$0x3FA0] =	sst lr;
	_ =	strace $0xD0000000  }
0x3: {  	_ = 	snop  }
0x4: {  	_ = 	snop  }
0x5: {  	_ = 	snop  }
0x6: {  	_ = 	snop  }
0x7: {  	_ = 	snop  }
__scs_overlays_trampoline_lowered:
0x8: {  	[smem:$0x3FAF] =	sst s0  }
0x9: {  	[smem:$0x3FB0] =	sst s1  }
0xa: {  	[smem:$0x3FB1] =	sst s2  }
0xb: {  	[smem:$0x3FB2] =	sst s3  }
0xc: {  	[smem:$0x3FB3] =	sst s4  }
0xd: {  	[smem:$0x3FB4] =	sst s5  }
0xe: {  	[smem:$0x3FB5] =	sst s6  }
0xf: {  	[smem:$0x3FB6] =	sst s7  }
0x10: {  	[smem:$0x3FB7] =	sst s8  }
0x11: {  	[smem:$0x3FB8] =	sst s9;
	s0 =	simm.s32 @!p0 $0x0  }
0x12: {  	s1 =	sld [smem:$0x3F9E];
	s0 =	simm.s32 @p0 $0x1  }
0x13: {  	[smem:$0x3FB9] =	sst s0;
	s0 =	simm.s32 @!p1 $0x0  }
0x14: {  	s2 =	sld [smem:$0x3F9D];
	s0 =	simm.s32 @p1 $0x1  }
0x15: {  	[smem:$0x3FBA] =	sst s0;
	s0 =	simm.s32 @!p2 $0x0  }
0x16: {  	s3 =	sld [smem:$0x3FDB];
	s0 =	simm.s32 @p2 $0x1  }
0x17: {  	s4 =	simm.s32 $0x1BF5;
	[smem:$0x3FBC] =	sst s0  }
0x18: {  	s0 =	sld [smem:$0x3F9F];
	_ =	swait.ge [sflag:s4], $0x0  }
0x19: {  	s7 =	sld [smem:$0x3FA0]  }
0x1a: {  	s8 =	sadd.s32 $0xFFFFE003, lr  }
0x1b: {  	s9 =	sadd.s32 $0xFFFFFEF7, lr;
	s5 =	simm.s32 $0xFFFFFFFF;
	p2 =	slt.u32 s8, $0xFFFFF086  }
0x1c: {  	p1 =	slt.u32 s9, $0xF7A;
	s5 =	simm.s32 @!p2 $0x0  }
0x1d: {  	s5 =	simm.s32 @p1 $0x1;
	p0 =	seq.s32 s7, s2  }
0x1e: {  	s7 =	smul.u32 @!p0 $0xF7A, s2;
	p2 =	seq.s32 @!p0 s5, $0x0  }
0x1f: {  	s9 =	smul.u32 $0xF7A, s1;
	s8 =	simm.s32 @!p0 $0x1BF5;
	p2 =	por !p2, p0  }
0x20: {  	[sflag:s8] =	ssyncset.s32 @!p0 $0xFFFFF086;
	s6 =	sadd.s32 @!p0 s3, s7;
	s7 =	simm.s32 @!p0 $0x108  }
0x21: {  	s3 =	sadd.s32 s3, s9;
	s6 =	sadd.s32 @!p0 $0x88, s6;
	s7 =	simm.s32 @p2 $0x1082  }
0x22: {  	[simem:s7], [sflag:s8] =	dma.local @!p0 [hbm:s6], $0xF7A  }
0x23: {  	s9 =	sor.u32 $0xD0000000, s2;
	s6 =	simm.s32 $0x108;
	_ =	swait.ge @!p0 [sflag:s8], $0x0  }
0x24: {  	s3 =	sadd.s32 $0x88, s3;
	s6 =	simm.s32 @!p1 $0x1082;
	[sflag:s4] =	ssyncset.s32 $0xFFFFF086  }
0x25: {  	[simem:s6], [sflag:s4] =	dma.local [hbm:s3], $0xF7A  }
0x26: {  	[smem:$0x3FA0] =	sst s1;
	(tag) =	ssettag s2;
	_ =	strace s9  }
0x27: {  	s1 =	sld [smem:$0x3FB0]  }
0x28: {  	s2 =	sld [smem:$0x3FB1]  }
0x29: {  	s4 =	sld [smem:$0x3FB3]  }
0x2a: {  	p0 =	seq.s32 s5, $0x0;
	s5 =	sld [smem:$0x3FB4]  }
0x2b: {  	s6 =	sld [smem:$0x3FB5]  }
0x2c: {  	s7 =	sld [smem:$0x3FB6]  }
0x2d: {  	s3 =	simm.s32 $0x108;
	s8 =	sld [smem:$0x3FB7]  }
0x2e: {  	s3 =	simm.s32 @!p0 $0x1082;
	s9 =	sld [smem:$0x3FB8]  }
0x2f: {  	lr =	sadd.s32 s0, s3;
	s0 =	sld [smem:$0x3FAF]  }
0x30: {  	s3 =	sld [smem:$0x3FB2]  }
0x31: {  	[smem:$0x3FBB] =	sst s10  }
0x32: {  	s10 =	sld [smem:$0x3FB9];
	_ =	sdelay $0x3  }
0x33: {  	p0 =	seq.s32 s10, $0x1;
	s10 =	sld [smem:$0x3FBB];
	_ =	sdelay $0x3  }
0x34: {  	[smem:$0x3FBB] =	sst s10  }
0x35: {  	s10 =	sld [smem:$0x3FBA];
	_ =	sdelay $0x3  }
0x36: {  	p1 =	seq.s32 s10, $0x1;
	s10 =	sld [smem:$0x3FBB];
	_ =	sdelay $0x3  }
0x37: {  	[smem:$0x3FBB] =	sst s10  }
0x38: {  	s10 =	sld [smem:$0x3FBC]  }
0x39: {  	_ = 	snop;
	(pc) =	sbr.ind lr, $3  }
0x3a: {  	_ = 	snop  }
0x3b: {  	_ = 	snop  }
0x3c: {  	p2 =	seq.s32 s10, $0x1;
	s10 =	sld [smem:$0x3FBB]  }
0x3d: {  	_ =	shalt  }
0x3e: {  	_ =	shalt  }
0x3f: {  	_ =	shalt  }
0x40: {  	_ =	shalt  }
0x41: {  	_ =	shalt  }
0x42: {  	_ =	shalt  }
0x43: {  	_ =	shalt  }
0x44: {  	_ =	shalt  }
0x45: {  	_ =	shalt  }
0x46: {  	_ =	shalt  }
0x47: {  	_ =	shalt  }
0x48: {  	_ =	shalt  }
0x49: {  	_ =	shalt  }
0x4a: {  	_ =	shalt  }
0x4b: {  	_ =	shalt  }
0x4c: {  	_ =	shalt  }
0x4d: {  	_ =	shalt  }
0x4e: {  	_ =	shalt  }
0x4f: {  	_ =	shalt  }
0x50: {  	_ =	shalt  }
0x51: {  	_ =	shalt  }
0x52: {  	_ =	shalt  }
0x53: {  	_ =	shalt  }
0x54: {  	_ =	shalt  }
0x55: {  	_ =	shalt  }
0x56: {  	_ =	shalt  }
0x57: {  	_ =	shalt  }
0x58: {  	_ =	shalt  }
0x59: {  	_ =	shalt  }
0x5a: {  	_ =	shalt  }
0x5b: {  	_ =	shalt  }
0x5c: {  	_ =	shalt  }
0x5d: {  	_ =	shalt  }
0x5e: {  	_ =	shalt  }
0x5f: {  	_ =	shalt  }
0x60: {  	_ =	shalt  }
0x61: {  	_ =	shalt  }
0x62: {  	_ =	shalt  }
0x63: {  	_ =	shalt  }
0x64: {  	_ =	shalt  }
0x65: {  	_ =	shalt  }
0x66: {  	_ =	shalt  }
0x67: {  	_ =	shalt  }
0x68: {  	_ =	shalt  }
0x69: {  	_ =	shalt  }
0x6a: {  	_ =	shalt  }
0x6b: {  	_ =	shalt  }
0x6c: {  	_ =	shalt  }
0x6d: {  	_ =	shalt  }
0x6e: {  	_ =	shalt  }
0x6f: {  	_ =	shalt  }
0x70: {  	_ =	shalt  }
0x71: {  	_ =	shalt  }
0x72: {  	_ =	shalt  }
0x73: {  	_ =	shalt  }
0x74: {  	_ =	shalt  }
0x75: {  	_ =	shalt  }
0x76: {  	_ =	shalt  }
0x77: {  	_ =	shalt  }
0x78: {  	_ =	shalt  }
0x79: {  	_ =	shalt  }
0x7a: {  	_ =	shalt  }
0x7b: {  	_ =	shalt  }
0x7c: {  	_ =	shalt  }
0x7d: {  	_ =	shalt  }
0x7e: {  	_ =	shalt  }
0x7f: {  	_ =	shalt  }
0x80: {  	_ =	shalt  }
0x81: {  	_ =	shalt  }
0x82: {  	_ =	shalt  }
0x83: {  	_ =	shalt  }
0x84: {  	_ =	shalt  }
0x85: {  	_ =	shalt  }
0x86: {  	_ =	shalt  }
0x87: {  	_ =	shalt  }
.Lfunc_end0:
.L_simem_size_0:
called_computation_lowered:
.L_overlay_start_0:
0x88: {  	s2 =	sld [smem:$0x3FD9]  }
0x89: {  	s3 =	sld [smem:$0x3FFE];
	_ =	sdelay $0x1  }
0x8a: {  	s1 =	srdreg.scid  }
0x8b: {  	s0 =	sand.u32 $0x1, s1  }
0x8c: {  	s17 =	sshll.u32 s0, $0xA;
	s2 =	sadd.s32 s3, s2  }
0x8d: {  	s2 =	sadd.s32 s2, s17  }
0x8e: {  	[smem:$0x3FC7] =	sst s2  }
0x8f: {  	_ = 	snop  }
0x90: {  	s2 =	sld [smem:$0x3FC9];
	(tm) =	ssettm $0x1  }
0x91: {  	s18 =	sld [smem:$0x3FFB];
	_ =	sdelay $0x3  }
0x92: {  	_ =	strace s18  }
0x93: {  	s3 =	sld [smem:$0x3FFC];
	_ =	sdelay $0x3  }
0x94: {  	_ =	strace s3  }
0x95: {  	s3 =	sld [smem:$0x3FFD];
	_ =	sdelay $0x3  }
0x96: {  	_ =	strace s3  }
0x97: {  	_ =	strace $0x8FFFFFFF  }
0x98: {  	s19 =	sld [smem:$0x3FDB];
	_ =	sdelay $0x1  }
0x99: {  	s4 =	simm.s32 $_scs_section_size  }
0x9a: {  	s5 =	simm.s32 $_size__tile_overlayer_lowered;
	s6 =	simm.s32 $_tile_overlayer_lowered  }
0x9b: {  	s22 =	simm.s32 $0x1BFF;
	s21 =	sshll.u32 s6, $0x1;
	s3 =	sadd.s32 s4, s19  }
0x9c: {  	s7 =	simm.s32 $0x0;
	s20 =	sshll.u32 s5, $0x1;
	s5 =	sadd.s32 s21, s3  }
0x9d: {  	[timem:s7], [sflag:s22] =	dma.local [hbm:s5], s20  }
0x9e: {  	_ =	swait.ge [sflag:s22], s20  }
0x9f: {  	s4 =	ssub.s32 $0x0, s20;
	[sflag:s22] =	ssyncset.done $0x0  }
0xa0: {  	[sflag:s22] =	ssyncadd.s32 s4;
	_ =	sdelay $0x1  }
0xa1: {  	s23 =	simm.s32 $0x1B8B  }
0xa2: {  	_ =	swait.ge [sflag:s23], $0x1  }
0xa3: {  	[sflag:s23] =	ssyncset.done $0x0  }
0xa4: {  	s25 =	simm.s32 $0x1B8E;
	s24 =	sld [smem:$0x3FFE];
	[sflag:s23] =	ssyncadd.s32 $0xFFFFFFFF  }
0xa5: {  	s26 =	simm.s32 $execute0_lowered;
	[smem:$0x3FD2] =	sst s25  }
0xa6: {  	s5 =	sshll.u32 s26, $0x1;
	_ =	strace $0x80000046;
	[dreg:$0x1] =	wrdreg $0xFFFFFFFF  }
0xa7: {  	s28 =	simm.s32 $_size_execute0_lowered;
	s3 =	sadd.s32 s3, s5;
	[dreg:$0x0] =	wrdreg $0x0  }
0xa8: {  	s5 =	sshll.u32 s28, $0x1;
	[dreg:$0x2] =	wrdreg s3  }
0xa9: {  	[dreg:$0x3] =	wrdreg s5  }
0xaa: {  	[dreg:$0x4] =	wrdreg $0xC0  }
0xab: {  	_ =	task [dreg:s7], $0x5FFFF  }
0xac: {  	[dreg:$0x1] =	wrdreg $0xFFFFFFFF  }
0xad: {  	[dreg:$0x0] =	wrdreg $0x60  }
0xae: {  	[dreg:$0x2] =	wrdreg s2  }
0xaf: {  	[dreg:$0x3] =	wrdreg s24  }
0xb0: {  	[dreg:$0x4] =	wrdreg $0x9  }
0xb1: {  	_ =	task.clear_ibuf [dreg:s7], $0x5FFFF;
	_ =	strace $0x90000046  }
0xb2: {  	s29 =	simm.s32 $0x9;
	_ =	strace $0x80000048  }
0xb3: {  	_ =	swait.ge [sflag:s29], $0x1  }
0xb4: {  	[sflag:s29] =	ssyncadd.s32 $0xFFFFFFFF  }
0xb5: {  	_ =	strace $0x90000048  }
0xb6: {  	_ =	sfence  }
0xb7: {  	s30 =	sld [smem:$0x0];
	_ =	sdelay $0x2  }
0xb8: {  	s31 =	sshll.u32 s1, $0xD;
	s1 =	sshrl.u32 s1, $0x2  }
0xb9: {  	s3 =	sand.u32 $0x4000, s31;
	s1 =	sadd.s32 s1, s30  }
0xba: {  	s0 =	sor.u32 s3, s0;
	s1 =	sshll.u32 s1, $0x11  }
0xbb: {  	s0 =	sor.u32 s1, s0  }
0xbc: {  	s0 =	sadd.s32 $0x8F2B, s0  }
0xbd: {  	[sflag:s0] =	ssyncadd.remote.s32 $0x1  }
0xbe: {  	_ =	sfence.sel $0xFFFF  }
0xbf: {  	[dreg:$0x0] =	wrdreg $0xFFFFFFFF;
	(pc) =	sbr.abs _section_cstart, $3  }
0xc0: {  	[dreg:$0x1] =	wrdreg $0xFFFFFFFF  }
0xc1: {  	_ =	task.clear_ibuf [dreg:s7], $0x2FFFF;
	_ =	strace $0x9FFFFFFF  }
0xc2: {  	(tm) =	ssettm $0x7FFFFFFF  }
0xc3: {  	_ =	shalt  }
tec
execute0_lowered:
.L_overlay_start_1:
0x0: {  	(tag) =	ssettag $0x1  }
0x1: {  	s3 =	rddreg [dreg:$0x0]  }
0x2: {  	s4 =	rddreg [dreg:$0x1]  }
0x3: {  	s0 =	rddreg [dreg:$0x2]  }
0x4: {  	s5 =	srdreg.scid;
	s2 =	simm.s32 $0x0;
	s1 =	stileid.u32  }
0x5: {  	s8 =	simm.s32 $0x1;
	s9 =	simm.s32 $0x2000;
	s5 =	sand.u32 $0x1, s5  }
0x6: {  	s10 =	simm.s32 $0x0;
	s6 =	sshll.u32 s1, $0x3;
	s7 =	sshll.u32 s5, $0x2  }
0x7: {  	[smem:$0x7FF] =	sst s2;
	s5 =	ssub.s32 $0x2, s5;
	s6 =	sor.u32 s7, s6  }
0x8: {  	_ =	strace $0x80000047;
	s31 =	sshrl.u32 s5, $0x1;
	s7 =	sshll.u32 s6, $0x7  }
0x9: {  	s6 =	sshll.u32 s6, $0x5;
	s5 =	ssub.s32 s5, s31;
	s4 =	sadd.s32 s7, s4  }
0xa: {  	s3 =	sadd.s32 s6, s3;
	s5 =	smax.u32 s5, $0x1;
	s6 =	simm.s32 $0x400  }
0xb: {  	s7 =	simm.s32 $0x8000;
	s3 =	sadd.s32 $0x38000, s3;
	s4 =	sadd.s32 $0x600, s4  }
.LBB2_1:
0xc: {  	[tilespmem:s2], [sflag:$0x1] =	stream.strided.gather [hbm4b:s3+s6], $0x2000, s7, s6, $0x38;
	[tilespmem:$0x3000] =	vst v63  }
0xd: {  	_ =	swait.ge [sflag:s8], $0x2000  }
0xe: {  	s11 =	simm.s32 $0xFFFFFFFC;
	[sflag:s8] =	ssyncset.done $0x0  }
0xf: {  	s12 =	simm.s32 $0x2800;
	s13 =	simm.s32 $0x200;
	[sflag:s8] =	ssyncadd.s32 $0xFFFFE000  }
.LBB2_2:
0x10: {  	v0 =	vld [tilespmem:s13+$0xFFFFFE00]  }
0x11: {  	v1 =	vld [tilespmem:s13+$0xFFFFFE80];
	_ =	sdelay $0x4  }
0x12: {  	v2 =	vmul.f32 v0, v0;
	v3 =	vmul.f32 v1, v1;
	_ =	sdelay $0x1  }
0x13: {  	v2 =	vadd.f32 v3, v2;
	_ =	sdelay $0x1  }
0x14: {  	v3 =	vshra.s32 v2, $0x1;
	v4 =	vmul.f32 $5.000000000e-01, v2  }
0x15: {  	v3 =	vsub.s32 $0x5F3759DF, v3  }
0x16: {  	v4 =	vmul.f32 v3, v4;
	_ =	sdelay $0x1  }
0x17: {  	v4 =	vmul.f32 v3, v4;
	_ =	sdelay $0x1  }
0x18: {  	v4 =	vsub.f32 $1.500000000e+00, v4;
	_ =	sdelay $0x1  }
0x19: {  	v0 =	vand.u32 $0x7FFFFFFF, v0;
	v3 =	vmul.f32 v3, v4  }
0x1a: {  	v1 =	vand.u32 $0x7FFFFFFF, v1;
	v0 =	vmul.f32 $4.000000000e+00, v0  }
0x1b: {  	v1 =	vmul.f32 $4.000000000e+00, v1;
	v2 =	vmul.f32 v3, v2;
	_ =	sdelay $0x1  }
0x1c: {  	v0 =	vadd.f32 $-3.000000000e+00, v0;
	v1 =	vadd.f32 $-3.000000000e+00, v1;
	v2 =	vmul.f32 $8.000000000e+00, v2;
	_ =	sdelay $0x1  }
0x1d: {  	v0 =	vmax.f32 v0, $0.0e+00;
	v1 =	vmax.f32 v1, $0.0e+00;
	v2 =	vadd.f32 $-1.000000000e+00, v2  }
0x1e: {  	v0 =	vmin.f32 v0, $3.000000000e+01;
	v1 =	vmin.f32 v1, $3.000000000e+01  }
0x1f: {  	v0 =	vmul.f32 v0, v0;
	v1 =	vmul.f32 v1, v1;
	v2 =	vmax.f32 v2, $0.0e+00  }
0x20: {  	v2 =	vmin.f32 v2, $2.000000000e+01  }
0x21: {  	v0 =	vadd.f32 v1, v0;
	v23 =	vmul.f32 v2, v2;
	_ =	sdelay $0x1  }
0x22: {  	v0 =	vadd.f32 v23, v0;
	_ =	sdelay $0x1  }
0x23: {  	v0 =	vmul.f32 $1.000000010e-01, v0;
	_ =	sdelay $0x1  }
0x24: {  	[tilespmem:s12+$0xFFFFF800] =	vst v0  }
0x25: {  	v0 =	vld [tilespmem:s13+$0xFFFFFE10]  }
0x26: {  	v24 =	vld [tilespmem:s13+$0xFFFFFE90];
	_ =	sdelay $0x4  }
0x27: {  	v25 =	vmul.f32 v0, v0;
	v26 =	vmul.f32 v24, v24;
	_ =	sdelay $0x1  }
0x28: {  	v2 =	vadd.f32 v26, v25;
	_ =	sdelay $0x1  }
0x29: {  	v3 =	vshra.s32 v2, $0x1;
	v27 =	vmul.f32 $5.000000000e-01, v2  }
0x2a: {  	v3 =	vsub.s32 $0x5F3759DF, v3  }
0x2b: {  	v4 =	vmul.f32 v3, v27;
	_ =	sdelay $0x1  }
0x2c: {  	v4 =	vmul.f32 v3, v4;
	_ =	sdelay $0x1  }
0x2d: {  	v4 =	vsub.f32 $1.500000000e+00, v4;
	_ =	sdelay $0x1  }
0x2e: {  	v0 =	vand.u32 $0x7FFFFFFF, v0;
	v3 =	vmul.f32 v3, v4  }
0x2f: {  	v1 =	vand.u32 $0x7FFFFFFF, v24;
	v0 =	vmul.f32 $4.000000000e+00, v0  }
0x30: {  	v1 =	vmul.f32 $4.000000000e+00, v1;
	v2 =	vmul.f32 v3, v2;
	_ =	sdelay $0x1  }
0x31: {  	v0 =	vadd.f32 $-3.000000000e+00, v0;
	v1 =	vadd.f32 $-3.000000000e+00, v1;
	v2 =	vmul.f32 $8.000000000e+00, v2;
	_ =	sdelay $0x1  }
0x32: {  	v0 =	vmax.f32 v0, $0.0e+00;
	v1 =	vmax.f32 v1, $0.0e+00;
	v2 =	vadd.f32 $-1.000000000e+00, v2  }
0x33: {  	v0 =	vmin.f32 v0, $3.000000000e+01;
	v1 =	vmin.f32 v1, $3.000000000e+01  }
0x34: {  	v0 =	vmul.f32 v0, v0;
	v1 =	vmul.f32 v1, v1;
	v2 =	vmax.f32 v2, $0.0e+00  }
0x35: {  	v2 =	vmin.f32 v2, $2.000000000e+01  }
0x36: {  	v0 =	vadd.f32 v1, v0;
	v28 =	vmul.f32 v2, v2;
	_ =	sdelay $0x1  }
0x37: {  	v0 =	vadd.f32 v28, v0;
	_ =	sdelay $0x1  }
0x38: {  	v0 =	vmul.f32 $1.000000010e-01, v0;
	_ =	sdelay $0x1  }
0x39: {  	[tilespmem:s12+$0xFFFFF810] =	vst v0  }
0x3a: {  	v0 =	vld [tilespmem:s13+$0xFFFFFE20]  }
0x3b: {  	v29 =	vld [tilespmem:s13+$0xFFFFFEA0];
	_ =	sdelay $0x4  }
0x3c: {  	v30 =	vmul.f32 v0, v0;
	v31 =	vmul.f32 v29, v29;
	_ =	sdelay $0x1  }
0x3d: {  	v2 =	vadd.f32 v31, v30;
	_ =	sdelay $0x1  }
0x3e: {  	v3 =	vshra.s32 v2, $0x1;
	v32 =	vmul.f32 $5.000000000e-01, v2  }
0x3f: {  	v3 =	vsub.s32 $0x5F3759DF, v3  }
0x40: {  	v4 =	vmul.f32 v3, v32;
	_ =	sdelay $0x1  }
0x41: {  	v4 =	vmul.f32 v3, v4;
	_ =	sdelay $0x1  }
0x42: {  	v4 =	vsub.f32 $1.500000000e+00, v4;
	_ =	sdelay $0x1  }
0x43: {  	v0 =	vand.u32 $0x7FFFFFFF, v0;
	v3 =	vmul.f32 v3, v4  }
0x44: {  	v1 =	vand.u32 $0x7FFFFFFF, v29;
	v0 =	vmul.f32 $4.000000000e+00, v0  }
0x45: {  	v1 =	vmul.f32 $4.000000000e+00, v1;
	v2 =	vmul.f32 v3, v2;
	_ =	sdelay $0x1  }
0x46: {  	v33 =	vld [tilespmem:s13+$0xFFFFFF00];
	v0 =	vadd.f32 $-3.000000000e+00, v0;
	v1 =	vadd.f32 $-3.000000000e+00, v1;
	v2 =	vmul.f32 $8.000000000e+00, v2  }
0x47: {  	v34 =	vld [tilespmem:s13+$0xFFFFFF80]  }
0x48: {  	v0 =	vmax.f32 v0, $0.0e+00;
	v1 =	vmax.f32 v1, $0.0e+00;
	v2 =	vadd.f32 $-1.000000000e+00, v2  }
0x49: {  	v0 =	vmin.f32 v0, $3.000000000e+01;
	v1 =	vmin.f32 v1, $3.000000000e+01  }
0x4a: {  	v0 =	vmul.f32 v0, v0;
	v1 =	vmul.f32 v1, v1;
	v2 =	vmax.f32 v2, $0.0e+00  }
0x4b: {  	v36 =	vmul.f32 v33, v33;
	v2 =	vmin.f32 v2, $2.000000000e+01  }
0x4c: {  	v37 =	vmul.f32 v34, v34;
	v0 =	vadd.f32 v1, v0;
	v35 =	vmul.f32 v2, v2;
	_ =	sdelay $0x1  }
0x4d: {  	v1 =	vadd.f32 v37, v36;
	v0 =	vadd.f32 v35, v0;
	_ =	sdelay $0x1  }
0x4e: {  	v5 =	vmul.f32 $5.000000000e-01, v1;
	v2 =	vshra.s32 v1, $0x1;
	v0 =	vmul.f32 $1.000000010e-01, v0  }
0x4f: {  	v2 =	vsub.s32 $0x5F3759DF, v2  }
0x50: {  	v5 =	vmul.f32 v2, v5;
	[tilespmem:s12+$0xFFFFF820] =	vst v0  }
0x51: {  	v0 =	vld [tilespmem:s13+$0xFFFFFE30]  }
0x52: {  	v5 =	vmul.f32 v2, v5;
	v6 =	vld [tilespmem:s13+$0xFFFFFEB0];
	_ =	sdelay $0x1  }
0x53: {  	v5 =	vsub.f32 $1.500000000e+00, v5  }
0x54: {  	v4 =	vand.u32 $0x7FFFFFFF, v34  }
0x55: {  	v4 =	vmul.f32 $4.000000000e+00, v4;
	v2 =	vmul.f32 v2, v5  }
0x56: {  	v3 =	vand.u32 $0x7FFFFFFF, v33;
	v7 =	vmul.f32 v0, v0;
	v8 =	vmul.f32 v6, v6  }
0x57: {  	v3 =	vmul.f32 $4.000000000e+00, v3;
	v4 =	vadd.f32 $-3.000000000e+00, v4  }
0x58: {  	v1 =	vmul.f32 v2, v1;
	v7 =	vadd.f32 v8, v7  }
0x59: {  	v3 =	vadd.f32 $-3.000000000e+00, v3;
	v4 =	vmax.f32 v4, $0.0e+00  }
0x5a: {  	v1 =	vmul.f32 $8.000000000e+00, v1;
	v38 =	vshra.s32 v7, $0x1;
	v40 =	vmul.f32 $5.000000000e-01, v7  }
0x5b: {  	v4 =	vmin.f32 v4, $3.000000000e+01;
	v39 =	vsub.s32 $0x5F3759DF, v38  }
0x5c: {  	v3 =	vmax.f32 v3, $0.0e+00;
	v1 =	vadd.f32 $-1.000000000e+00, v1;
	v5 =	vmul.f32 v39, v40  }
0x5d: {  	v4 =	vmul.f32 v4, v4;
	v3 =	vmin.f32 v3, $3.000000000e+01  }
0x5e: {  	v3 =	vmul.f32 v3, v3;
	v1 =	vmax.f32 v1, $0.0e+00;
	v5 =	vmul.f32 v39, v5  }
0x5f: {  	v1 =	vmin.f32 v1, $2.000000000e+01  }
0x60: {  	v3 =	vadd.f32 v4, v3;
	v1 =	vmul.f32 v1, v1;
	v5 =	vsub.f32 $1.500000000e+00, v5  }
0x61: {  	v0 =	vand.u32 $0x7FFFFFFF, v0  }
0x62: {  	v41 =	vand.u32 $0x7FFFFFFF, v6;
	v1 =	vadd.f32 v1, v3;
	v2 =	vmul.f32 v39, v5  }
0x63: {  	v0 =	vmul.f32 $4.000000000e+00, v0;
	v42 =	vmul.f32 $4.000000000e+00, v41  }
0x64: {  	v1 =	vmul.f32 $1.000000010e-01, v1;
	v2 =	vmul.f32 v2, v7;
	_ =	sdelay $0x1  }
0x65: {  	v0 =	vadd.f32 $-3.000000000e+00, v0;
	v3 =	vadd.f32 $-3.000000000e+00, v42;
	[tilespmem:s12+$0xFFFFFC00] =	vst v1;
	v2 =	vmul.f32 $8.000000000e+00, v2  }
0x66: {  	v44 =	vld [tilespmem:s13+$0xFFFFFF10]  }
0x67: {  	v0 =	vmax.f32 v0, $0.0e+00;
	v43 =	vmax.f32 v3, $0.0e+00;
	v45 =	vld [tilespmem:s13+$0xFFFFFF90];
	v2 =	vadd.f32 $-1.000000000e+00, v2  }
0x68: {  	v0 =	vmin.f32 v0, $3.000000000e+01;
	v1 =	vmin.f32 v43, $3.000000000e+01  }
0x69: {  	v0 =	vmul.f32 v0, v0;
	v1 =	vmul.f32 v1, v1;
	v2 =	vmax.f32 v2, $0.0e+00  }
0x6a: {  	v2 =	vmin.f32 v2, $2.000000000e+01  }
0x6b: {  	v0 =	vadd.f32 v1, v0;
	v46 =	vmul.f32 v2, v2  }
0x6c: {  	v47 =	vmul.f32 v44, v44;
	v48 =	vmul.f32 v45, v45  }
0x6d: {  	v0 =	vadd.f32 v46, v0  }
0x6e: {  	v1 =	vadd.f32 v48, v47  }
0x6f: {  	v0 =	vmul.f32 $1.000000010e-01, v0  }
0x70: {  	v49 =	vshra.s32 v1, $0x1;
	v2 =	vmul.f32 $5.000000000e-01, v1  }
0x71: {  	[tilespmem:s12+$0xFFFFF830] =	vst v0;
	v0 =	vsub.s32 $0x5F3759DF, v49  }
0x72: {  	v2 =	vmul.f32 v0, v2  }
0x73: {  	v9 =	vld [tilespmem:s13+$0x0]  }
0x74: {  	v54 =	vld [tilespmem:s13+$0x80];
	v2 =	vmul.f32 v0, v2;
	_ =	sdelay $0x1  }
0x75: {  	v57 =	vld [tilespmem:s13+$0x100];
	v2 =	vsub.f32 $1.500000000e+00, v2  }
0x76: {  	v13 =	vld [tilespmem:s13+$0x180]  }
0x77: {  	v10 =	vmul.f32 v9, v9;
	v3 =	vand.u32 $0x7FFFFFFF, v44;
	v0 =	vmul.f32 v0, v2  }
0x78: {  	v11 =	vmul.f32 v54, v54;
	v4 =	vand.u32 $0x7FFFFFFF, v45;
	v3 =	vmul.f32 $4.000000000e+00, v3;
	v50 =	vld [tilespmem:s13+$0xFFFFFE40]  }
0x79: {  	v4 =	vmul.f32 $4.000000000e+00, v4;
	v51 =	vld [tilespmem:s13+$0xFFFFFEC0];
	v0 =	vmul.f32 v0, v1  }
0x7a: {  	v61 =	vmul.f32 v57, v57;
	v10 =	vadd.f32 v11, v10;
	v3 =	vadd.f32 $-3.000000000e+00, v3  }
0x7b: {  	v62 =	vmul.f32 v13, v13;
	v4 =	vadd.f32 $-3.000000000e+00, v4;
	v0 =	vmul.f32 $8.000000000e+00, v0  }
0x7c: {  	v9 =	vand.u32 $0x7FFFFFFF, v9;
	v11 =	vshra.s32 v10, $0x1;
	v3 =	vmax.f32 v3, $0.0e+00  }
0x7d: {  	v4 =	vmax.f32 v4, $0.0e+00;
	v3 =	vmin.f32 v3, $3.000000000e+01;
	v0 =	vadd.f32 $-1.000000000e+00, v0  }
0x7e: {  	v4 =	vmin.f32 v4, $3.000000000e+01;
	v52 =	vmul.f32 v50, v50;
	v53 =	vmul.f32 v51, v51  }
0x7f: {  	v3 =	vmul.f32 v3, v3;
	v4 =	vmul.f32 v4, v4;
	v0 =	vmax.f32 v0, $0.0e+00  }
0x80: {  	v12 =	vmul.f32 $5.000000000e-01, v10;
	v7 =	vadd.f32 v53, v52;
	v0 =	vmin.f32 v0, $2.000000000e+01  }
0x81: {  	v56 =	vsub.s32 $0x5F3759DF, v11;
	v3 =	vadd.f32 v4, v3;
	v0 =	vmul.f32 v0, v0  }
0x82: {  	v12 =	vmul.f32 v56, v12;
	v55 =	vshra.s32 v7, $0x1;
	v8 =	vmul.f32 $5.000000000e-01, v7  }
0x83: {  	v17 =	vmul.f32 $4.000000000e+00, v9;
	v1 =	vsub.s32 $0x5F3759DF, v55;
	v0 =	vadd.f32 v0, v3  }
0x84: {  	v60 =	vmul.f32 v56, v12;
	v6 =	vand.u32 $0x7FFFFFFF, v51;
	v8 =	vmul.f32 v1, v8  }
0x85: {  	v22 =	vand.u32 $0x7FFFFFFF, v57;
	v6 =	vmul.f32 $4.000000000e+00, v6;
	v0 =	vmul.f32 $1.000000010e-01, v0  }
0x86: {  	v2 =	vand.u32 $0x7FFFFFFF, v54;
	v59 =	vmul.f32 v1, v8;
	v8 =	vsub.f32 $1.500000000e+00, v60  }
0x87: {  	v23 =	vmul.f32 $4.000000000e+00, v22;
	v2 =	vmul.f32 $4.000000000e+00, v2;
	[tilespmem:s12+$0xFFFFFC10] =	vst v0;
	v0 =	vadd.f32 v62, v61  }
0x88: {  	v24 =	vand.u32 $0x7FFFFFFF, v13;
	v6 =	vadd.f32 $-3.000000000e+00, v6;
	v4 =	vmul.f32 v56, v8  }
0x89: {  	v2 =	vadd.f32 $-3.000000000e+00, v2;
	v18 =	vshra.s32 v0, $0x1;
	v19 =	vmul.f32 $5.000000000e-01, v0  }
0x8a: {  	v58 =	vand.u32 $0x7FFFFFFF, v50;
	v4 =	vmul.f32 v4, v10;
	v9 =	vsub.s32 $0x5F3759DF, v18  }
0x8b: {  	v6 =	vmax.f32 v6, $0.0e+00;
	v2 =	vmax.f32 v2, $0.0e+00;
	v10 =	vmul.f32 v9, v19  }
0x8c: {  	v6 =	vmin.f32 v6, $3.000000000e+01;
	v8 =	vadd.f32 $-3.000000000e+00, v17;
	v4 =	vmul.f32 $8.000000000e+00, v4  }
0x8d: {  	v2 =	vmin.f32 v2, $3.000000000e+01;
	v5 =	vsub.f32 $1.500000000e+00, v59;
	v10 =	vmul.f32 v9, v10  }
0x8e: {  	v2 =	vmul.f32 v2, v2;
	v8 =	vmax.f32 v8, $0.0e+00;
	v4 =	vadd.f32 $-1.000000000e+00, v4  }
0x8f: {  	v1 =	vmul.f32 v1, v5;
	v8 =	vmin.f32 v8, $3.000000000e+01;
	v10 =	vsub.f32 $1.500000000e+00, v10  }
0x90: {  	v3 =	vmul.f32 $4.000000000e+00, v58;
	v8 =	vmul.f32 v8, v8;
	v4 =	vmax.f32 v4, $0.0e+00  }
0x91: {  	v1 =	vmul.f32 v1, v7;
	v4 =	vmin.f32 v4, $2.000000000e+01;
	v9 =	vmul.f32 v9, v10  }
0x92: {  	v2 =	vadd.f32 v2, v8;
	v8 =	vmul.f32 $4.000000000e+00, v24;
	v63 =	vld [tilespmem:s13+$0xFFFFFF20];
	v4 =	vmul.f32 v4, v4  }
0x93: {  	v31 =	vmul.f32 v6, v6;
	v3 =	vadd.f32 $-3.000000000e+00, v3;
	v20 =	vld [tilespmem:s13+$0xFFFFFFA0];
	v0 =	vmul.f32 v9, v0  }
0x94: {  	v1 =	vmul.f32 $8.000000000e+00, v1;
	v8 =	vadd.f32 $-3.000000000e+00, v8;
	v2 =	vadd.f32 v4, v2  }
0x95: {  	v3 =	vmax.f32 v3, $0.0e+00;
	v4 =	vadd.f32 $-3.000000000e+00, v23;
	v0 =	vmul.f32 $8.000000000e+00, v0  }
0x96: {  	v3 =	vmin.f32 v3, $3.000000000e+01;
	v8 =	vmax.f32 v8, $0.0e+00;
	v2 =	vmul.f32 $1.000000010e-01, v2  }
0x97: {  	v8 =	vmin.f32 v8, $3.000000000e+01;
	v4 =	vmax.f32 v4, $0.0e+00;
	v0 =	vadd.f32 $-1.000000000e+00, v0  }
0x98: {  	v14 =	vmul.f32 v63, v63;
	v15 =	vmul.f32 v20, v20;
	v4 =	vmin.f32 v4, $3.000000000e+01;
	[tilespmem:s12+$0x0] =	vst v2  }
0x99: {  	v8 =	vmul.f32 v8, v8;
	v4 =	vmul.f32 v4, v4;
	v2 =	vld [tilespmem:s13+$0x10];
	v0 =	vmax.f32 v0, $0.0e+00  }
0x9a: {  	v1 =	vadd.f32 $-1.000000000e+00, v1;
	v21 =	vadd.f32 v15, v14;
	v27 =	vld [tilespmem:s13+$0x90];
	v0 =	vmin.f32 v0, $2.000000000e+01  }
0x9b: {  	v3 =	vmul.f32 v3, v3;
	v4 =	vadd.f32 v8, v4;
	v0 =	vmul.f32 v0, v0  }
0x9c: {  	v1 =	vmax.f32 v1, $0.0e+00;
	v25 =	vshra.s32 v21, $0x1;
	v26 =	vmul.f32 $5.000000000e-01, v21  }
0x9d: {  	v1 =	vmin.f32 v1, $2.000000000e+01;
	v9 =	vsub.s32 $0x5F3759DF, v25;
	v0 =	vadd.f32 v0, v4  }
0x9e: {  	v3 =	vadd.f32 v31, v3;
	v10 =	vmul.f32 v9, v26;
	v29 =	vmul.f32 v2, v2  }
0x9f: {  	v5 =	vand.u32 $0x7FFFFFFF, v63;
	v30 =	vmul.f32 v27, v27;
	v0 =	vmul.f32 $1.000000010e-01, v0  }
0xa0: {  	v1 =	vmul.f32 v1, v1;
	v36 =	vand.u32 $0x7FFFFFFF, v20;
	v34 =	vmul.f32 $4.000000000e+00, v5  }
0xa1: {  	v38 =	vmul.f32 $4.000000000e+00, v36;
	v28 =	vmul.f32 v9, v10;
	v33 =	vadd.f32 v30, v29;
	[tilespmem:s12+$0x400] =	vst v0  }
0xa2: {  	v1 =	vadd.f32 v1, v3;
	v41 =	vadd.f32 $-3.000000000e+00, v34;
	v2 =	vand.u32 $0x7FFFFFFF, v2;
	v40 =	vld [tilespmem:s13+$0x110]  }
0xa3: {  	v32 =	vsub.f32 $1.500000000e+00, v28;
	v37 =	vshra.s32 v33, $0x1;
	v10 =	vmul.f32 $5.000000000e-01, v33;
	v43 =	vld [tilespmem:s13+$0x190]  }
0xa4: {  	v3 =	vmax.f32 v41, $0.0e+00;
	v2 =	vmul.f32 $4.000000000e+00, v2;
	v39 =	vsub.s32 $0x5F3759DF, v37  }
0xa5: {  	v46 =	vand.u32 $0x7FFFFFFF, v27;
	v35 =	vmul.f32 v9, v32;
	v42 =	vmul.f32 v39, v10  }
0xa6: {  	v1 =	vmul.f32 $1.000000010e-01, v1;
	v3 =	vmin.f32 v3, $3.000000000e+01;
	v6 =	vmul.f32 $4.000000000e+00, v46  }
0xa7: {  	v2 =	vadd.f32 $-3.000000000e+00, v2;
	v5 =	vmul.f32 v35, v21;
	v4 =	vmul.f32 v39, v42  }
0xa8: {  	v6 =	vadd.f32 $-3.000000000e+00, v6;
	v44 =	vmul.f32 v40, v40;
	v45 =	vmul.f32 v43, v43  }
0xa9: {  	v3 =	vmul.f32 v3, v3;
	v5 =	vmul.f32 $8.000000000e+00, v5;
	v4 =	vsub.f32 $1.500000000e+00, v4  }
0xaa: {  	v2 =	vmax.f32 v2, $0.0e+00;
	v6 =	vmax.f32 v6, $0.0e+00;
	v10 =	vadd.f32 v45, v44  }
0xab: {  	v2 =	vmin.f32 v2, $3.000000000e+01;
	v5 =	vadd.f32 $-1.000000000e+00, v5;
	v4 =	vmul.f32 v39, v4  }
0xac: {  	v0 =	vadd.f32 $-3.000000000e+00, v38;
	v47 =	vshra.s32 v10, $0x1;
	v48 =	vmul.f32 $5.000000000e-01, v10  }
0xad: {  	v5 =	vmax.f32 v5, $0.0e+00;
	v4 =	vmul.f32 v4, v33;
	v8 =	vsub.s32 $0x5F3759DF, v47  }
0xae: {  	v0 =	vmax.f32 v0, $0.0e+00;
	v5 =	vmin.f32 v5, $2.000000000e+01;
	v50 =	vmul.f32 v8, v48  }
0xaf: {  	v0 =	vmin.f32 v0, $3.000000000e+01;
	v49 =	vmul.f32 v5, v5;
	v4 =	vmul.f32 $8.000000000e+00, v4  }
0xb0: {  	v6 =	vmin.f32 v6, $3.000000000e+01;
	v0 =	vmul.f32 v0, v0;
	v5 =	vmul.f32 v8, v50  }
0xb1: {  	v2 =	vmul.f32 v2, v2;
	v6 =	vmul.f32 v6, v6;
	v4 =	vadd.f32 $-1.000000000e+00, v4  }
0xb2: {  	v0 =	vadd.f32 v0, v3;
	v55 =	vand.u32 $0x7FFFFFFF, v40;
	v52 =	vsub.f32 $1.500000000e+00, v5  }
0xb3: {  	v57 =	vand.u32 $0x7FFFFFFF, v43;
	v56 =	vmul.f32 $4.000000000e+00, v55;
	v4 =	vmax.f32 v4, $0.0e+00  }
0xb4: {  	v0 =	vadd.f32 v49, v0;
	v51 =	vmin.f32 v4, $2.000000000e+01;
	v3 =	vmul.f32 v8, v52  }
0xb5: {  	[tilespmem:s12+$0xFFFFF840] =	vst v1;
	v2 =	vadd.f32 v6, v2;
	v58 =	vmul.f32 $4.000000000e+00, v57;
	v1 =	vmul.f32 v51, v51  }
0xb6: {  	v0 =	vmul.f32 $1.000000010e-01, v0;
	v3 =	vmul.f32 v3, v10  }
0xb7: {  	v53 =	vld [tilespmem:s13+$0xFFFFFE50];
	v1 =	vadd.f32 v1, v2  }
0xb8: {  	v54 =	vld [tilespmem:s13+$0xFFFFFED0];
	[tilespmem:s12+$0xFFFFFC20] =	vst v0;
	v0 =	vadd.f32 $-3.000000000e+00, v58;
	v2 =	vadd.f32 $-3.000000000e+00, v56;
	v3 =	vmul.f32 $8.000000000e+00, v3  }
0xb9: {  	v1 =	vmul.f32 $1.000000010e-01, v1  }
0xba: {  	v59 =	vld [tilespmem:s13+$0xFFFFFF30];
	v0 =	vmax.f32 v0, $0.0e+00;
	v2 =	vmax.f32 v2, $0.0e+00;
	v3 =	vadd.f32 $-1.000000000e+00, v3  }
0xbb: {  	v60 =	vld [tilespmem:s13+$0xFFFFFFB0];
	v0 =	vmin.f32 v0, $3.000000000e+01;
	v2 =	vmin.f32 v2, $3.000000000e+01;
	[tilespmem:s12+$0x10] =	vst v1  }
0xbc: {  	v0 =	vmul.f32 v0, v0;
	v2 =	vmul.f32 v2, v2;
	v1 =	vld [tilespmem:s13+$0x20];
	v3 =	vmax.f32 v3, $0.0e+00  }
0xbd: {  	v61 =	vmul.f32 v53, v53;
	v62 =	vmul.f32 v54, v54;
	v63 =	vld [tilespmem:s13+$0xA0];
	v3 =	vmin.f32 v3, $2.000000000e+01  }
0xbe: {  	v4 =	vand.u32 $0x7FFFFFFF, v53;
	v0 =	vadd.f32 v0, v2;
	v22 =	vmul.f32 v3, v3  }
0xbf: {  	v33 =	vmul.f32 $4.000000000e+00, v4;
	v8 =	vadd.f32 v62, v61  }
0xc0: {  	v19 =	vmul.f32 v59, v59;
	v20 =	vmul.f32 v60, v60;
	v0 =	vadd.f32 v22, v0  }
0xc1: {  	v21 =	vshra.s32 v8, $0x1;
	v24 =	vmul.f32 $5.000000000e-01, v8;
	v25 =	vmul.f32 v1, v1  }
0xc2: {  	v10 =	vadd.f32 v20, v19;
	v26 =	vmul.f32 v63, v63;
	v0 =	vmul.f32 $1.000000010e-01, v0  }
0xc3: {  	v6 =	vand.u32 $0x7FFFFFFF, v59;
	v7 =	vand.u32 $0x7FFFFFFF, v60;
	v23 =	vsub.s32 $0x5F3759DF, v21  }
0xc4: {  	v27 =	vmul.f32 v23, v24;
	v28 =	vshra.s32 v10, $0x1;
	v11 =	vadd.f32 v26, v25;
	[tilespmem:s12+$0x410] =	vst v0  }
0xc5: {  	v6 =	vmul.f32 $4.000000000e+00, v6;
	v29 =	vmul.f32 $5.000000000e-01, v10;
	v12 =	vsub.s32 $0x5F3759DF, v28;
	v35 =	vld [tilespmem:s13+$0x120]  }
0xc6: {  	v2 =	vmul.f32 v23, v27;
	v31 =	vshra.s32 v11, $0x1;
	v32 =	vmul.f32 $5.000000000e-01, v11;
	v16 =	vld [tilespmem:s13+$0x1A0]  }
0xc7: {  	v7 =	vmul.f32 $4.000000000e+00, v7;
	v30 =	vmul.f32 v12, v29;
	v34 =	vsub.s32 $0x5F3759DF, v31  }
0xc8: {  	v1 =	vand.u32 $0x7FFFFFFF, v1;
	v2 =	vsub.f32 $1.500000000e+00, v2;
	v15 =	vmul.f32 v34, v32  }
0xc9: {  	v6 =	vadd.f32 $-3.000000000e+00, v6;
	v1 =	vmul.f32 $4.000000000e+00, v1;
	v13 =	vmul.f32 v12, v30  }
0xca: {  	v7 =	vadd.f32 $-3.000000000e+00, v7;
	v2 =	vmul.f32 v23, v2;
	v38 =	vmul.f32 v34, v15  }
0xcb: {  	v42 =	vand.u32 $0x7FFFFFFF, v63;
	v40 =	vmul.f32 v35, v35;
	v41 =	vmul.f32 v16, v16  }
0xcc: {  	v6 =	vmax.f32 v6, $0.0e+00;
	v1 =	vadd.f32 $-3.000000000e+00, v1;
	v39 =	vsub.f32 $1.500000000e+00, v38  }
0xcd: {  	v37 =	vsub.f32 $1.500000000e+00, v13;
	v2 =	vmul.f32 v2, v8;
	v43 =	vadd.f32 v41, v40  }
0xce: {  	v1 =	vmax.f32 v1, $0.0e+00;
	v8 =	vmul.f32 $4.000000000e+00, v42;
	v4 =	vmul.f32 v34, v39  }
0xcf: {  	v5 =	vmul.f32 v12, v37;
	v44 =	vshra.s32 v43, $0x1;
	v12 =	vmul.f32 $5.000000000e-01, v43  }
0xd0: {  	v8 =	vadd.f32 $-3.000000000e+00, v8;
	v4 =	vmul.f32 v4, v11;
	v11 =	vsub.s32 $0x5F3759DF, v44  }
0xd1: {  	v6 =	vmin.f32 v6, $3.000000000e+01;
	v1 =	vmin.f32 v1, $3.000000000e+01;
	v45 =	vmul.f32 v11, v12  }
0xd2: {  	v5 =	vmul.f32 v5, v10;
	v8 =	vmax.f32 v8, $0.0e+00;
	v4 =	vmul.f32 $8.000000000e+00, v4  }
0xd3: {  	v1 =	vmul.f32 v1, v1;
	v8 =	vmin.f32 v8, $3.000000000e+01;
	v10 =	vmul.f32 v11, v45  }
0xd4: {  	v5 =	vmul.f32 $8.000000000e+00, v5;
	v8 =	vmul.f32 v8, v8;
	v4 =	vadd.f32 $-1.000000000e+00, v4  }
0xd5: {  	v7 =	vmax.f32 v7, $0.0e+00;
	v6 =	vmul.f32 v6, v6;
	v10 =	vsub.f32 $1.500000000e+00, v10  }
0xd6: {  	v5 =	vadd.f32 $-1.000000000e+00, v5;
	v1 =	vadd.f32 v8, v1;
	v4 =	vmax.f32 v4, $0.0e+00  }
0xd7: {  	v46 =	vand.u32 $0x7FFFFFFF, v35;
	v4 =	vmin.f32 v4, $2.000000000e+01;
	v10 =	vmul.f32 v11, v10  }
0xd8: {  	v48 =	vand.u32 $0x7FFFFFFF, v16;
	v47 =	vmul.f32 $4.000000000e+00, v46;
	v4 =	vmul.f32 v4, v4  }
0xd9: {  	v7 =	vmin.f32 v7, $3.000000000e+01;
	v8 =	vmul.f32 $4.000000000e+00, v48;
	v9 =	vmul.f32 v10, v43  }
0xda: {  	v7 =	vmul.f32 v7, v7;
	v5 =	vmax.f32 v5, $0.0e+00;
	v1 =	vadd.f32 v4, v1  }
0xdb: {  	v8 =	vadd.f32 $-3.000000000e+00, v8;
	v4 =	vadd.f32 $-3.000000000e+00, v47;
	v9 =	vmul.f32 $8.000000000e+00, v9  }
0xdc: {  	v6 =	vadd.f32 v7, v6;
	v5 =	vmin.f32 v5, $2.000000000e+01;
	v1 =	vmul.f32 $1.000000010e-01, v1  }
0xdd: {  	v8 =	vmax.f32 v8, $0.0e+00;
	v4 =	vmax.f32 v4, $0.0e+00;
	v9 =	vadd.f32 $-1.000000000e+00, v9  }
0xde: {  	v5 =	vmul.f32 v5, v5;
	v8 =	vmin.f32 v8, $3.000000000e+01;
	v4 =	vmin.f32 v4, $3.000000000e+01;
	[tilespmem:s12+$0x20] =	vst v1  }
0xdf: {  	v8 =	vmul.f32 v8, v8;
	v4 =	vmul.f32 v4, v4;
	v1 =	vld [tilespmem:s13+$0x30];
	v9 =	vmax.f32 v9, $0.0e+00  }
0xe0: {  	v36 =	vand.u32 $0x7FFFFFFF, v54;
	v49 =	vld [tilespmem:s13+$0xB0];
	v50 =	vmin.f32 v9, $2.000000000e+01  }
0xe1: {  	v5 =	vadd.f32 v5, v6;
	v4 =	vadd.f32 v8, v4;
	v7 =	vmul.f32 v50, v50  }
0xe2: {  	v3 =	vmul.f32 $4.000000000e+00, v36  }
0xe3: {  	v5 =	vmul.f32 $1.000000010e-01, v5;
	v4 =	vadd.f32 v7, v4  }
0xe4: {  	v3 =	vadd.f32 $-3.000000000e+00, v3;
	v2 =	vmul.f32 $8.000000000e+00, v2;
	v51 =	vmul.f32 v1, v1  }
0xe5: {  	v0 =	vadd.f32 $-3.000000000e+00, v33;
	[tilespmem:s12+$0xFFFFFC30] =	vst v5;
	v52 =	vmul.f32 v49, v49;
	v4 =	vmul.f32 $1.000000010e-01, v4  }
0xe6: {  	v3 =	vmax.f32 v3, $0.0e+00;
	v2 =	vadd.f32 $-1.000000000e+00, v2;
	v5 =	vld [tilespmem:s13+$0xFFFFFF40]  }
0xe7: {  	v3 =	vmin.f32 v3, $3.000000000e+01;
	v0 =	vmax.f32 v0, $0.0e+00;
	v58 =	vld [tilespmem:s13+$0xFFFFFFC0];
	v6 =	vadd.f32 v52, v51;
	[tilespmem:s12+$0x420] =	vst v4  }
0xe8: {  	v3 =	vmul.f32 v3, v3;
	v2 =	vmax.f32 v2, $0.0e+00;
	v0 =	vmin.f32 v0, $3.000000000e+01;
	v55 =	vld [tilespmem:s13+$0x130]  }
0xe9: {  	v0 =	vmul.f32 v0, v0;
	v53 =	vshra.s32 v6, $0x1;
	v8 =	vmul.f32 $5.000000000e-01, v6;
	v57 =	vld [tilespmem:s13+$0x1B0]  }
0xea: {  	v2 =	vmin.f32 v2, $2.000000000e+01;
	v54 =	vsub.s32 $0x5F3759DF, v53  }
0xeb: {  	v2 =	vmul.f32 v2, v2;
	v0 =	vadd.f32 v3, v0;
	v56 =	vmul.f32 v54, v8  }
0xec: {  	v60 =	vmul.f32 v5, v5;
	v63 =	vmul.f32 v58, v58  }
0xed: {  	v0 =	vadd.f32 v2, v0;
	v59 =	vmul.f32 v54, v56  }
0xee: {  	v3 =	vadd.f32 v63, v60;
	v61 =	vmul.f32 v55, v55;
	v62 =	vmul.f32 v57, v57  }
0xef: {  	v2 =	vsub.f32 $1.500000000e+00, v59  }
0xf0: {  	v0 =	vmul.f32 $1.000000010e-01, v0;
	v18 =	vshra.s32 v3, $0x1;
	v16 =	vadd.f32 v62, v61  }
0xf1: {  	v1 =	vand.u32 $0x7FFFFFFF, v1;
	v15 =	vand.u32 $0x7FFFFFFF, v49;
	v2 =	vmul.f32 v54, v2  }
0xf2: {  	v1 =	vmul.f32 $4.000000000e+00, v1;
	v17 =	vshra.s32 v16, $0x1;
	v11 =	vmul.f32 $5.000000000e-01, v16  }
0xf3: {  	v4 =	vmul.f32 $4.000000000e+00, v15;
	v2 =	vmul.f32 v2, v6;
	v6 =	vsub.s32 $0x5F3759DF, v17  }
0xf4: {  	v13 =	vmul.f32 $5.000000000e-01, v3;
	v1 =	vadd.f32 $-3.000000000e+00, v1;
	v11 =	vmul.f32 v6, v11  }
0xf5: {  	v12 =	vsub.s32 $0x5F3759DF, v18;
	v4 =	vadd.f32 $-3.000000000e+00, v4;
	v2 =	vmul.f32 $8.000000000e+00, v2  }
0xf6: {  	v19 =	vmul.f32 v12, v13;
	v1 =	vmax.f32 v1, $0.0e+00;
	v11 =	vmul.f32 v6, v11  }
0xf7: {  	v1 =	vmin.f32 v1, $3.000000000e+01;
	v4 =	vmax.f32 v4, $0.0e+00;
	v2 =	vadd.f32 $-1.000000000e+00, v2  }
0xf8: {  	v1 =	vmul.f32 v1, v1;
	v4 =	vmin.f32 v4, $3.000000000e+01;
	v11 =	vsub.f32 $1.500000000e+00, v11  }
0xf9: {  	v4 =	vmul.f32 v4, v4;
	v7 =	vand.u32 $0x7FFFFFFF, v55;
	v2 =	vmax.f32 v2, $0.0e+00  }
0xfa: {  	v21 =	vand.u32 $0x7FFFFFFF, v57;
	v2 =	vmin.f32 v2, $2.000000000e+01;
	v6 =	vmul.f32 v6, v11  }
0xfb: {  	v20 =	vmul.f32 $4.000000000e+00, v7;
	v1 =	vadd.f32 v4, v1;
	v2 =	vmul.f32 v2, v2  }
0xfc: {  	v5 =	vand.u32 $0x7FFFFFFF, v5;
	v7 =	vmul.f32 $4.000000000e+00, v21;
	v6 =	vmul.f32 v6, v16  }
0xfd: {  	v5 =	vmul.f32 $4.000000000e+00, v5;
	v4 =	vmul.f32 v12, v19;
	v1 =	vadd.f32 v2, v1  }
0xfe: {  	[tilespmem:s12+$0xFFFFF850] =	vst v0;
	v7 =	vadd.f32 $-3.000000000e+00, v7;
	v2 =	vadd.f32 $-3.000000000e+00, v20;
	v6 =	vmul.f32 $8.000000000e+00, v6  }
0xff: {  	v25 =	vld [tilespmem:s13+$0xFFFFFE60];
	v5 =	vadd.f32 $-3.000000000e+00, v5;
	v4 =	vsub.f32 $1.500000000e+00, v4;
	v1 =	vmul.f32 $1.000000010e-01, v1  }
0x100: {  	v31 =	vld [tilespmem:s13+$0xFFFFFEE0];
	v7 =	vmax.f32 v7, $0.0e+00;
	v2 =	vmax.f32 v2, $0.0e+00;
	v6 =	vadd.f32 $-1.000000000e+00, v6  }
0x101: {  	v23 =	vmul.f32 v12, v4;
	v7 =	vmin.f32 v7, $3.000000000e+01;
	v2 =	vmin.f32 v2, $3.000000000e+01;
	[tilespmem:s12+$0x30] =	vst v1  }
0x102: {  	v7 =	vmul.f32 v7, v7;
	v2 =	vmul.f32 v2, v2;
	v1 =	vld [tilespmem:s13+$0x40];
	v6 =	vmax.f32 v6, $0.0e+00  }
0x103: {  	v22 =	vand.u32 $0x7FFFFFFF, v58;
	v5 =	vmax.f32 v5, $0.0e+00;
	v24 =	vld [tilespmem:s13+$0xC0];
	v26 =	vmin.f32 v6, $2.000000000e+01  }
0x104: {  	v0 =	vmul.f32 v23, v3;
	v2 =	vadd.f32 v7, v2;
	v3 =	vmul.f32 v26, v26  }
0x105: {  	v40 =	vmul.f32 v25, v25;
	v41 =	vmul.f32 v31, v31;
	v5 =	vmin.f32 v5, $3.000000000e+01  }
0x106: {  	v5 =	vmul.f32 v5, v5;
	v8 =	vmul.f32 $4.000000000e+00, v22;
	v2 =	vadd.f32 v3, v2  }
0x107: {  	v0 =	vmul.f32 $8.000000000e+00, v0;
	v28 =	vmul.f32 v1, v1  }
0x108: {  	v30 =	vand.u32 $0x7FFFFFFF, v25;
	v29 =	vmul.f32 v24, v24;
	v2 =	vmul.f32 $1.000000010e-01, v2  }
0x109: {  	v27 =	vadd.f32 $-3.000000000e+00, v8;
	v8 =	vand.u32 $0x7FFFFFFF, v31;
	v0 =	vadd.f32 $-1.000000000e+00, v0  }
0x10a: {  	v8 =	vmul.f32 $4.000000000e+00, v8;
	v1 =	vand.u32 $0x7FFFFFFF, v1;
	v7 =	vadd.f32 v29, v28;
	[tilespmem:s12+$0x430] =	vst v2  }
0x10b: {  	v0 =	vmax.f32 v0, $0.0e+00;
	v4 =	vand.u32 $0x7FFFFFFF, v24;
	v1 =	vmul.f32 $4.000000000e+00, v1;
	v36 =	vld [tilespmem:s13+$0x140]  }
0x10c: {  	v6 =	vmax.f32 v27, $0.0e+00;
	v32 =	vshra.s32 v7, $0x1;
	v33 =	vmul.f32 $5.000000000e-01, v7;
	v38 =	vld [tilespmem:s13+$0x1C0]  }
0x10d: {  	v4 =	vmul.f32 $4.000000000e+00, v4;
	v6 =	vmin.f32 v6, $3.000000000e+01;
	v35 =	vsub.s32 $0x5F3759DF, v32  }
0x10e: {  	v0 =	vmin.f32 v0, $2.000000000e+01;
	v6 =	vmul.f32 v6, v6;
	v37 =	vmul.f32 v35, v33  }
0x10f: {  	v8 =	vadd.f32 $-3.000000000e+00, v8;
	v0 =	vmul.f32 v0, v0;
	v1 =	vadd.f32 $-3.000000000e+00, v1  }
0x110: {  	v45 =	vadd.f32 $-3.000000000e+00, v4;
	v5 =	vadd.f32 v6, v5;
	v39 =	vmul.f32 v35, v37  }
0x111: {  	v6 =	vadd.f32 v41, v40;
	v42 =	vmul.f32 v36, v36;
	v43 =	vmul.f32 v38, v38  }
0x112: {  	v34 =	vmul.f32 $4.000000000e+00, v30;
	v0 =	vadd.f32 v0, v5;
	v5 =	vsub.f32 $1.500000000e+00, v39  }
0x113: {  	v1 =	vmax.f32 v1, $0.0e+00;
	v9 =	vshra.s32 v6, $0x1;
	v44 =	vadd.f32 v43, v42  }
0x114: {  	v49 =	vmul.f32 $5.000000000e-01, v6;
	v2 =	vadd.f32 $-3.000000000e+00, v34;
	v3 =	vmul.f32 v35, v5  }
0x115: {  	v9 =	vsub.s32 $0x5F3759DF, v9;
	v47 =	vshra.s32 v44, $0x1;
	v12 =	vmul.f32 $5.000000000e-01, v44  }
0x116: {  	v0 =	vmul.f32 $1.000000010e-01, v0;
	v3 =	vmul.f32 v3, v7;
	v7 =	vsub.s32 $0x5F3759DF, v47  }
0x117: {  	v1 =	vmin.f32 v1, $3.000000000e+01;
	v14 =	vmul.f32 v9, v49;
	v12 =	vmul.f32 v7, v12  }
0x118: {  	v1 =	vmul.f32 v1, v1;
	v2 =	vmax.f32 v2, $0.0e+00;
	[tilespmem:s12+$0xFFFFFC40] =	vst v0;
	v3 =	vmul.f32 $8.000000000e+00, v3  }
0x119: {  	v0 =	vmax.f32 v45, $0.0e+00;
	v54 =	vmul.f32 v9, v14;
	v46 =	vld [tilespmem:s13+$0xFFFFFF50];
	v12 =	vmul.f32 v7, v12  }
0x11a: {  	v2 =	vmin.f32 v2, $3.000000000e+01;
	v0 =	vmin.f32 v0, $3.000000000e+01;
	v3 =	vadd.f32 $-1.000000000e+00, v3  }
0x11b: {  	v48 =	vld [tilespmem:s13+$0xFFFFFFD0];
	v0 =	vmul.f32 v0, v0;
	v10 =	vand.u32 $0x7FFFFFFF, v36;
	v12 =	vsub.f32 $1.500000000e+00, v12  }
0x11c: {  	v53 =	vand.u32 $0x7FFFFFFF, v38;
	v52 =	vmul.f32 $4.000000000e+00, v10;
	v3 =	vmax.f32 v3, $0.0e+00  }
0x11d: {  	v10 =	vmul.f32 $4.000000000e+00, v53;
	v3 =	vmin.f32 v3, $2.000000000e+01;
	v7 =	vmul.f32 v7, v12  }
0x11e: {  	v0 =	vadd.f32 v0, v1;
	v50 =	vmul.f32 v46, v46;
	v3 =	vmul.f32 v3, v3  }
0x11f: {  	v10 =	vadd.f32 $-3.000000000e+00, v10;
	v4 =	vand.u32 $0x7FFFFFFF, v46;
	v5 =	vmul.f32 v7, v44  }
0x120: {  	v51 =	vmul.f32 v48, v48;
	v4 =	vmul.f32 $4.000000000e+00, v4;
	v0 =	vadd.f32 v3, v0  }
0x121: {  	v10 =	vmax.f32 v10, $0.0e+00;
	v3 =	vadd.f32 $-3.000000000e+00, v52;
	v5 =	vmul.f32 $8.000000000e+00, v5  }
0x122: {  	v1 =	vadd.f32 v51, v50;
	v10 =	vmin.f32 v10, $3.000000000e+01;
	v0 =	vmul.f32 $1.000000010e-01, v0  }
0x123: {  	v4 =	vadd.f32 $-3.000000000e+00, v4;
	v3 =	vmax.f32 v3, $0.0e+00;
	v5 =	vadd.f32 $-1.000000000e+00, v5  }
0x124: {  	v55 =	vshra.s32 v1, $0x1;
	v56 =	vmul.f32 $5.000000000e-01, v1;
	v3 =	vmin.f32 v3, $3.000000000e+01;
	[tilespmem:s12+$0x40] =	vst v0  }
0x125: {  	v10 =	vmul.f32 v10, v10;
	v3 =	vmul.f32 v3, v3;
	v0 =	vld [tilespmem:s13+$0x50];
	v5 =	vmax.f32 v5, $0.0e+00  }
0x126: {  	v11 =	vsub.s32 $0x5F3759DF, v55;
	v4 =	vmax.f32 v4, $0.0e+00;
	v57 =	vld [tilespmem:s13+$0xD0];
	v5 =	vmin.f32 v5, $2.000000000e+01  }
0x127: {  	v58 =	vmul.f32 v11, v56;
	v3 =	vadd.f32 v10, v3;
	v5 =	vmul.f32 v5, v5  }
0x128: {  	v2 =	vmul.f32 v2, v2;
	v4 =	vmin.f32 v4, $3.000000000e+01;
	v7 =	vsub.f32 $1.500000000e+00, v54  }
0x129: {  	v4 =	vmul.f32 v4, v4;
	v59 =	vmul.f32 v11, v58;
	v3 =	vadd.f32 v5, v3  }
0x12a: {  	v62 =	vmax.f32 v8, $0.0e+00;
	v7 =	vmul.f32 v9, v7;
	v60 =	vmul.f32 v0, v0  }
0x12b: {  	v15 =	vand.u32 $0x7FFFFFFF, v48;
	v61 =	vmul.f32 v57, v57;
	v3 =	vmul.f32 $1.000000010e-01, v3  }
0x12c: {  	v9 =	vmul.f32 $4.000000000e+00, v15;
	v0 =	vand.u32 $0x7FFFFFFF, v0;
	v24 =	vand.u32 $0x7FFFFFFF, v57  }
0x12d: {  	v6 =	vmul.f32 v7, v6;
	v7 =	vsub.f32 $1.500000000e+00, v59;
	v63 =	vadd.f32 v61, v60;
	[tilespmem:s12+$0x440] =	vst v3  }
0x12e: {  	v9 =	vadd.f32 $-3.000000000e+00, v9;
	v0 =	vmul.f32 $4.000000000e+00, v0;
	v25 =	vmul.f32 $4.000000000e+00, v24;
	v19 =	vld [tilespmem:s13+$0x150]  }
0x12f: {  	v7 =	vmul.f32 v11, v7;
	v10 =	vshra.s32 v63, $0x1;
	v16 =	vmul.f32 $5.000000000e-01, v63;
	v20 =	vld [tilespmem:s13+$0x1D0]  }
0x130: {  	v6 =	vmul.f32 $8.000000000e+00, v6;
	v9 =	vmax.f32 v9, $0.0e+00;
	v18 =	vsub.s32 $0x5F3759DF, v10  }
0x131: {  	v9 =	vmin.f32 v9, $3.000000000e+01;
	v1 =	vmul.f32 v7, v1;
	v10 =	vmul.f32 v18, v16  }
0x132: {  	v0 =	vadd.f32 $-3.000000000e+00, v0;
	v8 =	vadd.f32 $-3.000000000e+00, v25;
	v9 =	vmul.f32 v9, v9  }
0x133: {  	v17 =	vadd.f32 $-1.000000000e+00, v6;
	v1 =	vmul.f32 $8.000000000e+00, v1;
	v10 =	vmul.f32 v18, v10  }
0x134: {  	v0 =	vmax.f32 v0, $0.0e+00;
	v21 =	vmul.f32 v19, v19;
	v22 =	vmul.f32 v20, v20  }
0x135: {  	v8 =	vmax.f32 v8, $0.0e+00;
	v1 =	vadd.f32 $-1.000000000e+00, v1;
	v10 =	vsub.f32 $1.500000000e+00, v10  }
0x136: {  	v0 =	vmin.f32 v0, $3.000000000e+01;
	v5 =	vmin.f32 v62, $3.000000000e+01;
	v23 =	vadd.f32 v22, v21  }
0x137: {  	v4 =	vadd.f32 v9, v4;
	v1 =	vmax.f32 v1, $0.0e+00;
	v6 =	vmul.f32 v18, v10  }
0x138: {  	v1 =	vmin.f32 v1, $2.000000000e+01;
	v26 =	vshra.s32 v23, $0x1;
	v12 =	vmul.f32 $5.000000000e-01, v23  }
0x139: {  	v1 =	vmul.f32 v1, v1;
	v6 =	vmul.f32 v6, v63;
	v28 =	vsub.s32 $0x5F3759DF, v26  }
0x13a: {  	v5 =	vmul.f32 v5, v5;
	v3 =	vmax.f32 v17, $0.0e+00;
	v10 =	vmul.f32 v28, v12  }
0x13b: {  	v3 =	vmin.f32 v3, $2.000000000e+01;
	v1 =	vadd.f32 v1, v4;
	v27 =	vmul.f32 $8.000000000e+00, v6  }
0x13c: {  	v2 =	vadd.f32 v5, v2;
	v3 =	vmul.f32 v3, v3;
	v10 =	vmul.f32 v28, v10  }
0x13d: {  	v29 =	vmin.f32 v8, $3.000000000e+01;
	v1 =	vmul.f32 $1.000000010e-01, v1;
	v4 =	vadd.f32 $-1.000000000e+00, v27  }
0x13e: {  	v0 =	vmul.f32 v0, v0;
	v2 =	vadd.f32 v3, v2;
	v10 =	vsub.f32 $1.500000000e+00, v10  }
0x13f: {  	v32 =	vand.u32 $0x7FFFFFFF, v19;
	[tilespmem:s12+$0xFFFFFC50] =	vst v1;
	v1 =	vmul.f32 v29, v29;
	v4 =	vmax.f32 v4, $0.0e+00  }
0x140: {  	v33 =	vand.u32 $0x7FFFFFFF, v20;
	v4 =	vmin.f32 v4, $2.000000000e+01;
	v6 =	vmul.f32 v28, v10  }
0x141: {  	v34 =	vmul.f32 $4.000000000e+00, v33;
	v30 =	vld [tilespmem:s13+$0xFFFFFF60];
	v0 =	vadd.f32 v1, v0;
	v4 =	vmul.f32 v4, v4  }
0x142: {  	v31 =	vld [tilespmem:s13+$0xFFFFFFE0];
	v1 =	vmul.f32 $4.000000000e+00, v32;
	v6 =	vmul.f32 v6, v23  }
0x143: {  	v2 =	vmul.f32 $1.000000010e-01, v2;
	v36 =	vadd.f32 $-3.000000000e+00, v34;
	v0 =	vadd.f32 v4, v0  }
0x144: {  	v1 =	vadd.f32 $-3.000000000e+00, v1;
	v37 =	vmul.f32 $8.000000000e+00, v6  }
0x145: {  	[tilespmem:s12+$0xFFFFF860] =	vst v2;
	v4 =	vmax.f32 v36, $0.0e+00;
	v0 =	vmul.f32 $1.000000010e-01, v0  }
0x146: {  	v2 =	vld [tilespmem:s13+$0xFFFFFE70];
	v35 =	vmul.f32 v30, v30;
	v1 =	vmax.f32 v1, $0.0e+00;
	v5 =	vadd.f32 $-1.000000000e+00, v37  }
0x147: {  	v59 =	vld [tilespmem:s13+$0xFFFFFEF0];
	v38 =	vmul.f32 v31, v31;
	v40 =	vmin.f32 v4, $3.000000000e+01;
	v39 =	vmin.f32 v1, $3.000000000e+01;
	[tilespmem:s12+$0x50] =	vst v0  }
0x148: {  	v1 =	vmul.f32 v40, v40;
	v0 =	vmul.f32 v39, v39;
	v41 =	vld [tilespmem:s13+$0x60];
	v5 =	vmax.f32 v5, $0.0e+00  }
0x149: {  	v3 =	vadd.f32 v38, v35;
	v43 =	vld [tilespmem:s13+$0xE0];
	v5 =	vmin.f32 v5, $2.000000000e+01  }
0x14a: {  	v0 =	vadd.f32 v1, v0;
	v44 =	vmul.f32 v5, v5  }
0x14b: {  	v56 =	vmul.f32 v2, v2;
	v42 =	vshra.s32 v3, $0x1;
	v7 =	vmul.f32 $5.000000000e-01, v3  }
0x14c: {  	v16 =	vmul.f32 v59, v59;
	v6 =	vsub.s32 $0x5F3759DF, v42;
	v0 =	vadd.f32 v44, v0  }
0x14d: {  	v8 =	vand.u32 $0x7FFFFFFF, v30;
	v45 =	vmul.f32 v6, v7;
	v47 =	vmul.f32 v41, v41  }
0x14e: {  	v50 =	vand.u32 $0x7FFFFFFF, v31;
	v48 =	vmul.f32 v43, v43;
	v0 =	vmul.f32 $1.000000010e-01, v0  }
0x14f: {  	v2 =	vand.u32 $0x7FFFFFFF, v2;
	v34 =	vand.u32 $0x7FFFFFFF, v59;
	v49 =	vmul.f32 $4.000000000e+00, v8  }
0x150: {  	v24 =	vadd.f32 v16, v56;
	v46 =	vmul.f32 v6, v45;
	v5 =	vadd.f32 v48, v47;
	[tilespmem:s12+$0x450] =	vst v0  }
0x151: {  	v7 =	vmul.f32 $4.000000000e+00, v50;
	v4 =	vand.u32 $0x7FFFFFFF, v41;
	v9 =	vand.u32 $0x7FFFFFFF, v43;
	v51 =	vld [tilespmem:s13+$0x160]  }
0x152: {  	v1 =	vsub.f32 $1.500000000e+00, v46;
	v52 =	vshra.s32 v5, $0x1;
	v53 =	vmul.f32 $5.000000000e-01, v5;
	v54 =	vld [tilespmem:s13+$0x1E0]  }
0x153: {  	v4 =	vmul.f32 $4.000000000e+00, v4;
	v9 =	vmul.f32 $4.000000000e+00, v9;
	v55 =	vsub.s32 $0x5F3759DF, v52  }
0x154: {  	v7 =	vadd.f32 $-3.000000000e+00, v7;
	v1 =	vmul.f32 v6, v1;
	v8 =	vmul.f32 v55, v53  }
0x155: {  	v2 =	vmul.f32 $4.000000000e+00, v2;
	v4 =	vadd.f32 $-3.000000000e+00, v4;
	v62 =	vadd.f32 $-3.000000000e+00, v9  }
0x156: {  	v7 =	vmax.f32 v7, $0.0e+00;
	v1 =	vmul.f32 v1, v3;
	v8 =	vmul.f32 v55, v8  }
0x157: {  	v0 =	vadd.f32 $-3.000000000e+00, v49;
	v57 =	vmul.f32 v51, v51;
	v58 =	vmul.f32 v54, v54  }
0x158: {  	v7 =	vmin.f32 v7, $3.000000000e+01;
	v18 =	vmax.f32 v4, $0.0e+00;
	v1 =	vmul.f32 $8.000000000e+00, v1  }
0x159: {  	v0 =	vmax.f32 v0, $0.0e+00;
	v8 =	vsub.f32 $1.500000000e+00, v8;
	v12 =	vadd.f32 v58, v57  }
0x15a: {  	v7 =	vmul.f32 v7, v7;
	v1 =	vadd.f32 $-1.000000000e+00, v1;
	v0 =	vmin.f32 v0, $3.000000000e+01  }
0x15b: {  	v3 =	vmul.f32 v55, v8;
	v13 =	vshra.s32 v12, $0x1;
	v60 =	vmul.f32 $5.000000000e-01, v12  }
0x15c: {  	v1 =	vmax.f32 v1, $0.0e+00;
	v0 =	vmul.f32 v0, v0;
	v61 =	vsub.s32 $0x5F3759DF, v13  }
0x15d: {  	v1 =	vmin.f32 v1, $2.000000000e+01;
	v3 =	vmul.f32 v3, v5;
	v13 =	vmul.f32 v61, v60  }
0x15e: {  	v19 =	vmax.f32 v62, $0.0e+00;
	v1 =	vmul.f32 v1, v1;
	v0 =	vadd.f32 v7, v0  }
0x15f: {  	v4 =	vmin.f32 v19, $3.000000000e+01;
	v3 =	vmul.f32 $8.000000000e+00, v3;
	v63 =	vmul.f32 v61, v13  }
0x160: {  	v4 =	vmul.f32 v4, v4;
	v6 =	vand.u32 $0x7FFFFFFF, v51;
	v0 =	vadd.f32 v1, v0  }
0x161: {  	v21 =	vand.u32 $0x7FFFFFFF, v54;
	v17 =	vadd.f32 $-1.000000000e+00, v3;
	v20 =	vsub.f32 $1.500000000e+00, v63  }
0x162: {  	v6 =	vmul.f32 $4.000000000e+00, v6;
	v3 =	vmin.f32 v18, $3.000000000e+01;
	v0 =	vmul.f32 $1.000000010e-01, v0  }
0x163: {  	v3 =	vmul.f32 v3, v3;
	v1 =	vmax.f32 v17, $0.0e+00;
	v5 =	vmul.f32 v61, v20  }
0x164: {  	v7 =	vmul.f32 $4.000000000e+00, v21;
	v22 =	vadd.f32 $-3.000000000e+00, v6;
	v1 =	vmin.f32 v1, $2.000000000e+01  }
0x165: {  	[tilespmem:s12+$0xFFFFFC60] =	vst v0;
	v3 =	vadd.f32 v4, v3;
	v1 =	vmul.f32 v1, v1;
	v5 =	vmul.f32 v5, v12  }
0x166: {  	v2 =	vadd.f32 $-3.000000000e+00, v2;
	v30 =	vshra.s32 v24, $0x1;
	v23 =	vadd.f32 $-3.000000000e+00, v7;
	v29 =	vld [tilespmem:s13+$0xFFFFFFF0]  }
0x167: {  	v25 =	vmax.f32 v22, $0.0e+00;
	v1 =	vadd.f32 v1, v3;
	v5 =	vmul.f32 $8.000000000e+00, v5  }
0x168: {  	v32 =	vmul.f32 $5.000000000e-01, v24;
	v26 =	vmax.f32 v23, $0.0e+00;
	v0 =	vmin.f32 v25, $3.000000000e+01  }
0x169: {  	v28 =	vld [tilespmem:s13+$0xFFFFFF70];
	v3 =	vmin.f32 v26, $3.000000000e+01;
	v1 =	vmul.f32 $1.000000010e-01, v1;
	v27 =	vadd.f32 $-1.000000000e+00, v5  }
0x16a: {  	v35 =	vsub.s32 $0x5F3759DF, v30;
	v0 =	vmul.f32 v0, v0;
	v3 =	vmul.f32 v3, v3  }
0x16b: {  	v2 =	vmax.f32 v2, $0.0e+00;
	v6 =	vand.u32 $0x7FFFFFFF, v29;
	[tilespmem:s12+$0x60] =	vst v1;
	v4 =	vmax.f32 v27, $0.0e+00  }
0x16c: {  	v0 =	vadd.f32 v3, v0;
	v3 =	vmul.f32 $4.000000000e+00, v34;
	v33 =	vld [tilespmem:s13+$0x70];
	v31 =	vmin.f32 v4, $2.000000000e+01  }
0x16d: {  	v2 =	vmin.f32 v2, $3.000000000e+01;
	v6 =	vmul.f32 $4.000000000e+00, v6;
	v36 =	vld [tilespmem:s13+$0xF0];
	v1 =	vmul.f32 v31, v31  }
0x16e: {  	v2 =	vmul.f32 v2, v2;
	v37 =	vmul.f32 v28, v28;
	v3 =	vadd.f32 $-3.000000000e+00, v3  }
0x16f: {  	v6 =	vadd.f32 $-3.000000000e+00, v6;
	v5 =	vand.u32 $0x7FFFFFFF, v28;
	v0 =	vadd.f32 v1, v0  }
0x170: {  	v38 =	vmul.f32 v29, v29;
	v41 =	vmax.f32 v3, $0.0e+00;
	v5 =	vmul.f32 $4.000000000e+00, v5  }
0x171: {  	v6 =	vmax.f32 v6, $0.0e+00;
	v39 =	vmul.f32 v33, v33;
	v0 =	vmul.f32 $1.000000010e-01, v0  }
0x172: {  	v6 =	vmin.f32 v6, $3.000000000e+01;
	v40 =	vmul.f32 v36, v36;
	v4 =	vmul.f32 v35, v32  }
0x173: {  	v6 =	vmul.f32 v6, v6;
	v5 =	vadd.f32 $-3.000000000e+00, v5;
	v1 =	vadd.f32 v38, v37;
	[tilespmem:s12+$0x460] =	vst v0  }
0x174: {  	v58 =	vand.u32 $0x7FFFFFFF, v36;
	v45 =	vadd.f32 v40, v39;
	v4 =	vmul.f32 v35, v4;
	v44 =	vld [tilespmem:s13+$0x170]  }
0x175: {  	v5 =	vmax.f32 v5, $0.0e+00;
	v42 =	vshra.s32 v1, $0x1;
	v43 =	vmul.f32 $5.000000000e-01, v1;
	v46 =	vld [tilespmem:s13+$0x1F0]  }
0x176: {  	v5 =	vmin.f32 v5, $3.000000000e+01;
	v4 =	vsub.f32 $1.500000000e+00, v4;
	v3 =	vsub.s32 $0x5F3759DF, v42  }
0x177: {  	v48 =	vshra.s32 v45, $0x1;
	v5 =	vmul.f32 v5, v5;
	v47 =	vmul.f32 v3, v43  }
0x178: {  	v49 =	vmul.f32 $5.000000000e-01, v45;
	v13 =	vsub.s32 $0x5F3759DF, v48;
	v4 =	vmul.f32 v35, v4  }
0x179: {  	v5 =	vadd.f32 v6, v5;
	v6 =	vmul.f32 $4.000000000e+00, v58;
	v12 =	vmul.f32 v3, v47  }
0x17a: {  	v0 =	vmin.f32 v41, $3.000000000e+01;
	v52 =	vmul.f32 v44, v44;
	v53 =	vmul.f32 v46, v46  }
0x17b: {  	v0 =	vmul.f32 v0, v0;
	v4 =	vmul.f32 v4, v24;
	v51 =	vsub.f32 $1.500000000e+00, v12  }
0x17c: {  	v50 =	vmul.f32 v13, v49;
	v6 =	vadd.f32 $-3.000000000e+00, v6;
	v54 =	vadd.f32 v53, v52  }
0x17d: {  	v0 =	vadd.f32 v0, v2;
	v4 =	vmul.f32 $8.000000000e+00, v4;
	v3 =	vmul.f32 v3, v51  }
0x17e: {  	v2 =	vmul.f32 v13, v50;
	v55 =	vshra.s32 v54, $0x1;
	v12 =	vmul.f32 $5.000000000e-01, v54  }
0x17f: {  	v6 =	vmax.f32 v6, $0.0e+00;
	v1 =	vmul.f32 v3, v1;
	v3 =	vsub.s32 $0x5F3759DF, v55  }
0x180: {  	v57 =	vand.u32 $0x7FFFFFFF, v33;
	v6 =	vmin.f32 v6, $3.000000000e+01;
	v12 =	vmul.f32 v3, v12  }
0x181: {  	v4 =	vadd.f32 $-1.000000000e+00, v4;
	v2 =	vsub.f32 $1.500000000e+00, v2;
	v6 =	vmul.f32 v6, v6  }
0x182: {  	v59 =	vand.u32 $0x7FFFFFFF, v44;
	v60 =	vand.u32 $0x7FFFFFFF, v46;
	v12 =	vmul.f32 v3, v12  }
0x183: {  	v2 =	vmul.f32 v13, v2;
	v4 =	vmax.f32 v4, $0.0e+00;
	v7 =	vmul.f32 $4.000000000e+00, v59  }
0x184: {  	v8 =	vmul.f32 $4.000000000e+00, v60;
	v4 =	vmin.f32 v4, $2.000000000e+01;
	v56 =	vsub.f32 $1.500000000e+00, v12  }
0x185: {  	v4 =	vmul.f32 v4, v4;
	v2 =	vmul.f32 v2, v45;
	v7 =	vadd.f32 $-3.000000000e+00, v7  }
0x186: {  	v8 =	vadd.f32 $-3.000000000e+00, v8;
	v1 =	vmul.f32 $8.000000000e+00, v1;
	v3 =	vmul.f32 v3, v56  }
0x187: {  	v0 =	vadd.f32 v4, v0;
	v4 =	vmul.f32 $4.000000000e+00, v57;
	v2 =	vmul.f32 $8.000000000e+00, v2  }
0x188: {  	v7 =	vmax.f32 v7, $0.0e+00;
	v8 =	vmax.f32 v8, $0.0e+00;
	v3 =	vmul.f32 v3, v54  }
0x189: {  	v1 =	vadd.f32 $-1.000000000e+00, v1;
	v7 =	vmin.f32 v7, $3.000000000e+01;
	v4 =	vadd.f32 $-3.000000000e+00, v4  }
0x18a: {  	v8 =	vmin.f32 v8, $3.000000000e+01;
	v2 =	vadd.f32 $-1.000000000e+00, v2;
	v3 =	vmul.f32 $8.000000000e+00, v3  }
0x18b: {  	v7 =	vmul.f32 v7, v7;
	v8 =	vmul.f32 v8, v8;
	v4 =	vmax.f32 v4, $0.0e+00  }
0x18c: {  	v1 =	vmax.f32 v1, $0.0e+00;
	v4 =	vmin.f32 v4, $3.000000000e+01;
	v3 =	vadd.f32 $-1.000000000e+00, v3  }
0x18d: {  	v1 =	vmin.f32 v1, $2.000000000e+01;
	v2 =	vmax.f32 v2, $0.0e+00;
	v4 =	vmul.f32 v4, v4  }
0x18e: {  	v1 =	vmul.f32 v1, v1;
	v2 =	vmin.f32 v2, $2.000000000e+01;
	v3 =	vmax.f32 v3, $0.0e+00  }
0x18f: {  	v2 =	vmul.f32 v2, v2;
	v4 =	vadd.f32 v6, v4;
	v3 =	vmin.f32 v3, $2.000000000e+01  }
0x190: {  	s11 =	sadd.s32 $0x4, s11;
	v61 =	vadd.f32 v8, v7;
	v1 =	vadd.f32 v1, v5;
	v3 =	vmul.f32 v3, v3  }
0x191: {  	p0 =	slt.u32 s11, $0x1C;
	v0 =	vmul.f32 $1.000000010e-01, v0;
	v2 =	vadd.f32 v2, v4  }
.Ltmp0:
0x192: {  	v1 =	vmul.f32 $1.000000010e-01, v1;
	v3 =	vadd.f32 v3, v61;
	(pc) =	sbr.rel @p0 .LBB2_2-.Ltmp0, $4  }
0x193: {  	[tilespmem:s12+$0xFFFFF870] =	vst v0;
	v62 =	vmul.f32 $1.000000010e-01, v2  }
0x194: {  	[tilespmem:s12+$0xFFFFFC70] =	vst v1;
	v63 =	vmul.f32 $1.000000010e-01, v3  }
0x195: {  	[tilespmem:s12+$0x70] =	vst v62  }
0x196: {  	s13 =	sadd.s32 $0x400, s13;
	[tilespmem:s12+$0x470] =	vst v63;
	s12 =	sadd.s32 $0x80, s12  }
0x197: {  	s10 =	sadd.s32 $0x1, s10  }
0x198: {  	p0 =	sne.s32 s10, s5  }
.Ltmp1:
0x199: {  	_ = 	snop;
	(pc) =	sbr.rel @p0 .LBB2_1-.Ltmp1, $4  }
0x19a: {  	[hbm4b:s4+s2] =	stream.linear.scatter [tilespmem:s9], [sflag:$0x1], $0x1000, $0x38;
	[tilespmem:$0x3000] =	vst v63  }
0x19b: {  	_ =	swait.ge [sflag:s8], $0x1000  }
0x19c: {  	[sflag:s8] =	ssyncset.done $0x0  }
0x19d: {  	[sflag:s8] =	ssyncadd.s32 $0xFFFFF000  }
0x19e: {  	_ =	sfence.sel $0x180000  }
0x19f: {  	[bflag:$0x0] =	sbarrier.arrive $0xFFFF  }
0x1a0: {  	p0 =	sne.s32 s1, $0x0;
	_ =	strace $0x90000047  }
0x1a1: {  	s0 =	sadd.s32 @!p0 $0x100000, s0;
	[bflag:$0x2] =	sbarrier.arrive $0xFFFF  }
0x1a2: {  	[sflag:s0] =	ssyncadd.tile.s32 @!p0 $0x1;
	_ =	shalt  }
.Lfunc_end2:
_tile_overlayer_lowered:
.L_overlay_start_2:
0x1a3: {  	(tag) =	ssettag $0x2  }
0x1a4: {  	s0 =	rddreg [dreg:$0x0];
	s2 =	stileid.u32  }
0x1a5: {  	s1 =	rddreg [dreg:$0x1];
	p0 =	sne.s32 s2, $0x0  }
0x1a6: {  	s3 =	rddreg [dreg:$0x2];
	[bflag:$0x3] =	sbarrier.arrive $0xFFFF;
	s2 =	simm.s32 @!p0 $0x1C02  }
0x1a7: {  	[timem:s3], [sflag:s2] =	dma.local @!p0 [hbm:s0], s1  }
0x1a8: {  	s0 =	simm.s32 @!p0 $0x2  }
0x1a9: {  	_ =	swait.ge @!p0 [sflag:s0], s1  }
0x1aa: {  	s1 =	ssub.s32 @!p0 $0x0, s1;
	[sflag:s0] =	ssyncset.done @!p0 $0x0  }
0x1ab: {  	[sflag:s0] =	ssyncadd.s32 @!p0 s1  }
0x1ac: {  	[bflag:$0x3] =	sbarrier.arrive $0xFFFF  }
0x1ad: {  	_ =	shalt  }

</sc_bundles>
